<compile_context>
chip_gen: v7x
topology: tpu7x:2x2x1
jax: 0.10.2.dev20260603
libtpu: 0.0.44.dev20260713+nightly
codegen_flags: <defaults>
</compile_context>

<pallas_src>
import functools

import jax
import jax.numpy as jnp
from jax import lax
from jax.experimental import pallas as pl
from jax.experimental.pallas import tpu as pltpu
from jax.experimental.pallas import tpu_sc as plsc

N = 10000
E = 320000
D = 128
NP = 10240

NC = 2
NS = 16
NW = NC * NS
EPW = E // NW
C = 128
NB = 2
NFULL = EPW // C
NSTEP = NFULL // NB
CT = EPW - NFULL * C
RPS = NP // NS
ZR = 16

_mesh = plsc.VectorSubcoreMesh(core_axis_name="c", subcore_axis_name="s")


@functools.partial(
    pl.kernel,
    mesh=_mesh,
    out_type=[
        jax.ShapeDtypeStruct((NC * NP, D), jnp.float32),
        jax.ShapeDtypeStruct((NW * NP,), jnp.float32),
    ],
    scratch_types=[
        [pltpu.VMEM((C,), jnp.int32) for _ in range(NB)],
        [pltpu.VMEM((C,), jnp.int32) for _ in range(NB)],
        [pltpu.VMEM((C, D), jnp.float32) for _ in range(NB)],
        pltpu.VMEM((CT,), jnp.int32),
        pltpu.VMEM((CT,), jnp.int32),
        pltpu.VMEM((CT, D), jnp.float32),
        pltpu.VMEM((NP,), jnp.float32),
        pltpu.VMEM_SHARED((NP, D), jnp.float32),
        [pltpu.SemaphoreType.DMA for _ in range(NB)],
        [pltpu.SemaphoreType.DMA for _ in range(NB)],
        [pltpu.SemaphoreType.DMA for _ in range(NB)],
    ],
    compiler_params=pltpu.CompilerParams(needs_layout_passes=False),
)
def _sc_segsum(src_hbm, dst_hbm, feat_hbm, out_sum, out_deg,
               sidx_v, didx_v, rows_v, tsidx_v, tdidx_v, trows_v,
               deg_v, acc_s, gsem, isem, ssem):
    cid = lax.axis_index("c")
    sid = lax.axis_index("s")
    wid = cid * NS + sid

    zero16 = jnp.zeros((16,), jnp.float32)
    one16 = jnp.ones((16,), jnp.float32)

    stage_v = rows_v[0].at[pl.ds(0, ZR)]

    def _fill(i, carry):
        for c in range(D // 16):
            rows_v[0][i, pl.ds(c * 16, 16)] = zero16
        return carry
    lax.fori_loop(0, ZR, _fill, 0)

    def _zdeg(k, carry):
        deg_v[pl.ds(k * 16, 16)] = zero16
        return carry
    lax.fori_loop(0, NP // 16, _zdeg, 0)

    def _zero(j, carry):
        pltpu.sync_copy(stage_v, acc_s.at[pl.ds(sid * RPS + j * ZR, ZR)])
        return carry
    lax.fori_loop(0, RPS // ZR, _zero, 0)

    plsc.subcore_barrier()

    def _wait_scatter(b):
        pltpu.make_async_copy(rows_v[b], acc_s.at[didx_v[b]], ssem[b]).wait()

    def _burst(c0, waits):
        for b in waits:
            _wait_scatter(b)
        idesc = []
        for b in range(NB):
            base = wid * EPW + (c0 + b) * C
            idesc.append((
                pltpu.async_copy(src_hbm.at[pl.ds(base, C)], sidx_v[b], isem[b]),
                pltpu.async_copy(dst_hbm.at[pl.ds(base, C)], didx_v[b], isem[b]),
            ))
        gdesc = []
        for b in range(NB):
            idesc[b][0].wait()
            idesc[b][1].wait()
            gdesc.append(pltpu.async_copy(
                feat_hbm.at[sidx_v[b]], rows_v[b], gsem[b]))
        for b in range(NB):
            gdesc[b].wait()
            for k in range(C // 16):
                idx16 = didx_v[b][pl.ds(k * 16, 16)]
                plsc.addupdate_scatter(deg_v, [idx16], one16)
            pltpu.async_copy(rows_v[b], acc_s.at[didx_v[b]], ssem[b], add=True)

    _burst(0, [])

    def _step(j, carry):
        _burst(NB * (j + 1), range(NB))
        return carry
    lax.fori_loop(0, NSTEP - 1, _step, 0)

    tbase = wid * EPW + NFULL * C
    pltpu.sync_copy(src_hbm.at[pl.ds(tbase, CT)], tsidx_v)
    pltpu.sync_copy(dst_hbm.at[pl.ds(tbase, CT)], tdidx_v)
    pltpu.async_copy(feat_hbm.at[tsidx_v], trows_v, gsem[0]).wait()
    for k in range(CT // 16):
        idx16 = tdidx_v[pl.ds(k * 16, 16)]
        plsc.addupdate_scatter(deg_v, [idx16], one16)
    pltpu.sync_copy(trows_v, acc_s.at[tdidx_v], add=True)
    for b in range(NB):
        _wait_scatter(b)

    plsc.subcore_barrier()

    row0 = sid * RPS
    pltpu.sync_copy(acc_s.at[pl.ds(row0, RPS)],
                    out_sum.at[pl.ds(cid * NP + row0, RPS)])
    pltpu.sync_copy(deg_v, out_deg.at[pl.ds(wid * NP, NP)])


BLK = 640
BLK_GRID = NP // BLK


def _tc_self_body(feat_r, ws_r, b_r, out_r):
    out_r[...] = lax.dot_general(
        feat_r[...], ws_r[...], (((1,), (1,)), ((), ())),
        preferred_element_type=jnp.float32) + b_r[0]


def _tc_comb_body(self_r, ps_r, pd_r, wn_r, out_r):
    s = ps_r[0] + ps_r[1]
    d = jnp.sum(pd_r[...], axis=0)[:, None]
    h = s / jnp.maximum(d, 1.0)
    m = lax.dot_general(h, wn_r[...], (((1,), (1,)), ((), ())),
                        preferred_element_type=jnp.float32)
    out_r[...] = self_r[...] + m


def kernel(feat, edge_index, W_neigh, W_self, b_self):
    src = edge_index[0].astype(jnp.int32)
    dst = edge_index[1].astype(jnp.int32)

    psum_flat, pdeg_flat = _sc_segsum(src, dst, feat)
    psum = psum_flat.reshape(NC, NP, D)
    pdeg = pdeg_flat.reshape(NW, NP)

    self_out = pl.pallas_call(
        _tc_self_body,
        grid=(BLK_GRID,),
        in_specs=[
            pl.BlockSpec((BLK, D), lambda i: (i, 0)),
            pl.BlockSpec((D, D), lambda i: (0, 0)),
            pl.BlockSpec((1, D), lambda i: (0, 0)),
        ],
        out_specs=pl.BlockSpec((BLK, D), lambda i: (i, 0)),
        out_shape=jax.ShapeDtypeStruct((N, D), jnp.float32),
    )(feat, W_self, b_self.reshape(1, D))

    out = pl.pallas_call(
        _tc_comb_body,
        grid=(BLK_GRID,),
        in_specs=[
            pl.BlockSpec((BLK, D), lambda i: (i, 0)),
            pl.BlockSpec((NC, BLK, D), lambda i: (0, i, 0)),
            pl.BlockSpec((NW, BLK), lambda i: (0, i)),
            pl.BlockSpec((D, D), lambda i: (0, 0)),
        ],
        out_specs=pl.BlockSpec((BLK, D), lambda i: (i, 0)),
        out_shape=jax.ShapeDtypeStruct((N, D), jnp.float32),
    )(self_out, psum, pdeg, W_neigh)
    return out

# --- scband reference (transcript-rebuilt; emitter-appended) ---
"""Pipeline reference for scband-sageconv-7224134992220 (READ-ONLY COPY).

The authoritative reference and input builder live on the scoring server;
editing this copy changes nothing except your own understanding.
"""

import jax, jax.numpy as jnp
import numpy as np

N = 10000
E = 320000
D_IN = 128
D_OUT = 128

def setup_inputs(seed: int = 0) -> dict:
    key = jax.random.key(seed)
    k1, k2, k3, k4, k5 = jax.random.split(key, 5)
    feat = jax.random.normal(k1, (N, D_IN), dtype=jnp.float32)
    edge_index = jax.random.randint(k2, (2, E), 0, N)
    # Xavier-uniform style init for the two linear layers (fc_neigh has no bias, fc_self has bias)
    gain = float(np.sqrt(2.0))
    lim = gain * np.sqrt(6.0 / (D_IN + D_OUT))
    W_neigh = jax.random.uniform(k3, (D_OUT, D_IN), minval=-lim, maxval=lim, dtype=jnp.float32)
    W_self = jax.random.uniform(k4, (D_OUT, D_IN), minval=-lim, maxval=lim, dtype=jnp.float32)
    b_self = jnp.zeros((D_OUT,), dtype=jnp.float32)
    return {"feat": feat, "edge_index": edge_index, "W_neigh": W_neigh, "W_self": W_self, "b_self": b_self}


def reference(feat, edge_index, W_neigh, W_self, b_self):
    # SAGEConv with aggregator_type='mean', feat_drop=0 (identity in eval):
    #   h_neigh = mean_{src in N(dst)} feat[src]
    #   rst = fc_self(feat) + fc_neigh(h_neigh)
    src = edge_index[0]
    dst = edge_index[1]
    msgs = jnp.take(feat, src, axis=0)                              # gather: copy_u('h','m')
    summed = jax.ops.segment_sum(msgs, dst, num_segments=N)         # scatter-add
    deg = jax.ops.segment_sum(jnp.ones((E,), dtype=feat.dtype), dst, num_segments=N)
    h_neigh = summed / jnp.maximum(deg, 1.0)[:, None]               # fn.mean: zero-degree nodes -> 0
    h_neigh = h_neigh @ W_neigh.T                                   # fc_neigh (no bias)
    rst = feat @ W_self.T + b_self + h_neigh                        # fc_self(h_self) + h_neigh
    return rst

if __name__ == "__main__":
    import jax
    _d = setup_inputs()
    print(jax.jit(kernel)(*tuple(_d.values())))

</pallas_src>

<mosaic_0001>
#map = affine_map<(d0, d1) -> (0)>
#map1 = affine_map<(d0, d1) -> (0, 0)>
module attributes {stable_mosaic.version = 14 : i64} {
  func.func @_sc_segsum(%arg0: i32, %arg1: i32, %arg2: memref<320000xi32, #tpu.memory_space<hbm>>, %arg3: memref<320000xi32, #tpu.memory_space<hbm>>, %arg4: memref<10000x128xf32, #tpu.memory_space<hbm>>, %arg5: memref<20480x128xf32, #tpu.memory_space<hbm>>, %arg6: memref<327680xf32, #tpu.memory_space<hbm>>, %arg7: memref<128xi32, #tpu.memory_space<vmem>>, %arg8: memref<128xi32, #tpu.memory_space<vmem>>, %arg9: memref<128xi32, #tpu.memory_space<vmem>>, %arg10: memref<128xi32, #tpu.memory_space<vmem>>, %arg11: memref<128x128xf32, #tpu.memory_space<vmem>>, %arg12: memref<128x128xf32, #tpu.memory_space<vmem>>, %arg13: memref<16xi32, #tpu.memory_space<vmem>>, %arg14: memref<16xi32, #tpu.memory_space<vmem>>, %arg15: memref<16x128xf32, #tpu.memory_space<vmem>>, %arg16: memref<10240xf32, #tpu.memory_space<vmem>>, %arg17: memref<10240x128xf32, #tpu.memory_space<vmem_shared>>, %arg18: memref<!tpu.dma_semaphore, #tpu.memory_space<semaphore_mem>>, %arg19: memref<!tpu.dma_semaphore, #tpu.memory_space<semaphore_mem>>, %arg20: memref<!tpu.dma_semaphore, #tpu.memory_space<semaphore_mem>>, %arg21: memref<!tpu.dma_semaphore, #tpu.memory_space<semaphore_mem>>, %arg22: memref<!tpu.dma_semaphore, #tpu.memory_space<semaphore_mem>>, %arg23: memref<!tpu.dma_semaphore, #tpu.memory_space<semaphore_mem>>) attributes {dimension_semantics = [#tpu.dimension_semantics<core_parallel>, #tpu.dimension_semantics<subcore_parallel>], iteration_bounds = array<i64: 2, 16>, scalar_prefetch = 0 : i64, scratch_operands = 17 : i64, tpu.core_type = #tpu.core_type<sc_vector_subcore>, window_params = [{transform_indices = #map}, {transform_indices = #map}, {transform_indices = #map1}, {transform_indices = #map1}, {transform_indices = #map}]} {
    %mul3A = arith.constant 16 : i32
    %mul3A_0 = arith.muli %arg0, %mul3A : i32
    %add3A = arith.addi %mul3A_0, %arg1 : i32
    %broadcast_in_dim3A = arith.constant 0.000000e+00 : f32
    %broadcast_in_dim3A_1 = vector.broadcast %broadcast_in_dim3A : f32 to vector<16xf32>
    %broadcast_in_dim3A_2 = arith.constant 1.000000e+00 : f32
    %broadcast_in_dim3A_3 = vector.broadcast %broadcast_in_dim3A_2 : f32 to vector<16xf32>
    %scan3A = arith.constant 0 : i32
    %scan3A_4 = arith.constant 0 : i32
    %scan3A_5 = arith.constant 16 : i32
    %scan3A_6 = arith.addi %scan3A_4, %scan3A_5 : i32
    %scan3A_7 = arith.constant 1 : i32
    scf.for %scan3A_124 = %scan3A_4 to %scan3A_6 step %scan3A_7  : i32 {
      %swap3A = arith.index_cast %scan3A_124 : i32 to index
      %swap3A_125 = arith.constant 0 : index
      %swap3A_126 = tpu.vector_load %arg11[%swap3A, %swap3A_125] {strides = array<i32>} : memref<128x128xf32, #tpu.memory_space<vmem>>, vector<16xf32>,
      tpu.vector_store %arg11[%swap3A, %swap3A_125], %broadcast_in_dim3A_1 {strides = array<i32>} : memref<128x128xf32, #tpu.memory_space<vmem>>, vector<16xf32>,
      %swap3A_127 = arith.index_cast %scan3A_124 : i32 to index
      %swap3A_128 = arith.constant 16 : index
      %swap3A_129 = tpu.vector_load %arg11[%swap3A_127, %swap3A_128] {strides = array<i32>} : memref<128x128xf32, #tpu.memory_space<vmem>>, vector<16xf32>,
      tpu.vector_store %arg11[%swap3A_127, %swap3A_128], %broadcast_in_dim3A_1 {strides = array<i32>} : memref<128x128xf32, #tpu.memory_space<vmem>>, vector<16xf32>,
      %swap3A_130 = arith.index_cast %scan3A_124 : i32 to index
      %swap3A_131 = arith.constant 32 : index
      %swap3A_132 = tpu.vector_load %arg11[%swap3A_130, %swap3A_131] {strides = array<i32>} : memref<128x128xf32, #tpu.memory_space<vmem>>, vector<16xf32>,
      tpu.vector_store %arg11[%swap3A_130, %swap3A_131], %broadcast_in_dim3A_1 {strides = array<i32>} : memref<128x128xf32, #tpu.memory_space<vmem>>, vector<16xf32>,
      %swap3A_133 = arith.index_cast %scan3A_124 : i32 to index
      %swap3A_134 = arith.constant 48 : index
      %swap3A_135 = tpu.vector_load %arg11[%swap3A_133, %swap3A_134] {strides = array<i32>} : memref<128x128xf32, #tpu.memory_space<vmem>>, vector<16xf32>,
      tpu.vector_store %arg11[%swap3A_133, %swap3A_134], %broadcast_in_dim3A_1 {strides = array<i32>} : memref<128x128xf32, #tpu.memory_space<vmem>>, vector<16xf32>,
      %swap3A_136 = arith.index_cast %scan3A_124 : i32 to index
      %swap3A_137 = arith.constant 64 : index
      %swap3A_138 = tpu.vector_load %arg11[%swap3A_136, %swap3A_137] {strides = array<i32>} : memref<128x128xf32, #tpu.memory_space<vmem>>, vector<16xf32>,
      tpu.vector_store %arg11[%swap3A_136, %swap3A_137], %broadcast_in_dim3A_1 {strides = array<i32>} : memref<128x128xf32, #tpu.memory_space<vmem>>, vector<16xf32>,
      %swap3A_139 = arith.index_cast %scan3A_124 : i32 to index
      %swap3A_140 = arith.constant 80 : index
      %swap3A_141 = tpu.vector_load %arg11[%swap3A_139, %swap3A_140] {strides = array<i32>} : memref<128x128xf32, #tpu.memory_space<vmem>>, vector<16xf32>,
      tpu.vector_store %arg11[%swap3A_139, %swap3A_140], %broadcast_in_dim3A_1 {strides = array<i32>} : memref<128x128xf32, #tpu.memory_space<vmem>>, vector<16xf32>,
      %swap3A_142 = arith.index_cast %scan3A_124 : i32 to index
      %swap3A_143 = arith.constant 96 : index
      %swap3A_144 = tpu.vector_load %arg11[%swap3A_142, %swap3A_143] {strides = array<i32>} : memref<128x128xf32, #tpu.memory_space<vmem>>, vector<16xf32>,
      tpu.vector_store %arg11[%swap3A_142, %swap3A_143], %broadcast_in_dim3A_1 {strides = array<i32>} : memref<128x128xf32, #tpu.memory_space<vmem>>, vector<16xf32>,
      %swap3A_145 = arith.index_cast %scan3A_124 : i32 to index
      %swap3A_146 = arith.constant 112 : index
      %swap3A_147 = tpu.vector_load %arg11[%swap3A_145, %swap3A_146] {strides = array<i32>} : memref<128x128xf32, #tpu.memory_space<vmem>>, vector<16xf32>,
      tpu.vector_store %arg11[%swap3A_145, %swap3A_146], %broadcast_in_dim3A_1 {strides = array<i32>} : memref<128x128xf32, #tpu.memory_space<vmem>>, vector<16xf32>,
    }
    %scan3A_8 = arith.constant 16 : i32
    %scan3A_9 = arith.constant 0 : i32
    %scan3A_10 = arith.constant 0 : i32
    %scan3A_11 = arith.constant 640 : i32
    %scan3A_12 = arith.addi %scan3A_10, %scan3A_11 : i32
    %scan3A_13 = arith.constant 1 : i32
    scf.for %scan3A_124 = %scan3A_10 to %scan3A_12 step %scan3A_13  : i32 {
      %mul3A_125 = arith.constant 16 : i32
      %mul3A_126 = arith.muli %scan3A_124, %mul3A_125 : i32
      %swap3A = arith.index_cast %mul3A_126 : i32 to index
      %swap3A_127 = tpu.vector_load %arg16[%swap3A] {strides = array<i32>} : memref<10240xf32, #tpu.memory_space<vmem>>, vector<16xf32>,
      tpu.vector_store %arg16[%swap3A], %broadcast_in_dim3A_1 {strides = array<i32>} : memref<10240xf32, #tpu.memory_space<vmem>>, vector<16xf32>,
    }
    %scan3A_14 = arith.constant 640 : i32
    %scan3A_15 = arith.constant 0 : i32
    %scan3A_16 = arith.constant 0 : i32
    %scan3A_17 = arith.constant 40 : i32
    %scan3A_18 = arith.addi %scan3A_16, %scan3A_17 : i32
    %scan3A_19 = arith.constant 1 : i32
    scf.for %scan3A_124 = %scan3A_16 to %scan3A_18 step %scan3A_19  : i32 {
      %mul3A_125 = arith.constant 640 : i32
      %mul3A_126 = arith.muli %arg1, %mul3A_125 : i32
      %mul3A_127 = arith.constant 16 : i32
      %mul3A_128 = arith.muli %scan3A_124, %mul3A_127 : i32
      %add3A_129 = arith.addi %mul3A_126, %mul3A_128 : i32
      "tpu.region"() ({
        %run_scoped3A = tpu.sem_alloc : memref<!tpu.dma_semaphore, #tpu.memory_space<semaphore_mem>>
        %dma_start3A_130 = arith.constant 0 : i32
        %dma_start3A_131 = arith.constant 0 : i32
        %dma_start3A_132 = tpu.memref_slice %arg11[%dma_start3A_130, %dma_start3A_131] : memref<128x128xf32, #tpu.memory_space<vmem>> -> memref<16x128xf32, #tpu.memory_space<vmem>>
        %dma_start3A_133 = arith.constant 0 : i32
        %dma_start3A_134 = tpu.memref_slice %arg17[%add3A_129, %dma_start3A_133] : memref<10240x128xf32, #tpu.memory_space<vmem_shared>> -> memref<16x128xf32, #tpu.memory_space<vmem_shared>>
        %dma_start3A_135 = arith.constant 0 : i32
        %dma_start3A_136 = tpu.memref_slice %arg17[%add3A_129, %dma_start3A_135] : memref<10240x128xf32, #tpu.memory_space<vmem_shared>> -> memref<16x128xf32, #tpu.memory_space<vmem_shared>>
        %dma_start3A_137 = arith.constant 0 : i32
        %dma_start3A_138 = arith.constant 0 : i32
        %dma_start3A_139 = tpu.memref_slice %arg11[%dma_start3A_137, %dma_start3A_138] : memref<128x128xf32, #tpu.memory_space<vmem>> -> memref<16x128xf32, #tpu.memory_space<vmem>>
        tpu.enqueue_dma source(%dma_start3A_139 : memref<16x128xf32, #tpu.memory_space<vmem>>) target(%dma_start3A_136 : memref<16x128xf32, #tpu.memory_space<vmem_shared>>) target_semaphore(%run_scoped3A : memref<!tpu.dma_semaphore, #tpu.memory_space<semaphore_mem>>)
        %dma_wait3A_140 = arith.constant 0 : i32
        %dma_wait3A_141 = arith.constant 0 : i32
        %dma_wait3A_142 = tpu.memref_slice %arg11[%dma_wait3A_140, %dma_wait3A_141] : memref<128x128xf32, #tpu.memory_space<vmem>> -> memref<16x128xf32, #tpu.memory_space<vmem>>
        %dma_wait3A_143 = arith.constant 0 : i32
        %dma_wait3A_144 = tpu.memref_slice %arg17[%add3A_129, %dma_wait3A_143] : memref<10240x128xf32, #tpu.memory_space<vmem_shared>> -> memref<16x128xf32, #tpu.memory_space<vmem_shared>>
        %dma_wait3A_145 = arith.constant 0 : i32
        %dma_wait3A_146 = tpu.memref_slice %arg17[%add3A_129, %dma_wait3A_145] : memref<10240x128xf32, #tpu.memory_space<vmem_shared>> -> memref<16x128xf32, #tpu.memory_space<vmem_shared>>
        %dma_wait3A_147 = arith.constant 0 : i32
        %dma_wait3A_148 = arith.constant 0 : i32
        %dma_wait3A_149 = tpu.memref_slice %arg11[%dma_wait3A_147, %dma_wait3A_148] : memref<128x128xf32, #tpu.memory_space<vmem>> -> memref<16x128xf32, #tpu.memory_space<vmem>>
        tpu.wait_dma2 semaphore(%run_scoped3A : memref<!tpu.dma_semaphore, #tpu.memory_space<semaphore_mem>>) src(%dma_wait3A_149 : memref<16x128xf32, #tpu.memory_space<vmem>>) dst(%dma_wait3A_146 : memref<16x128xf32, #tpu.memory_space<vmem_shared>>)
        tpu.yield
      }) : () -> ()
    }
    %scan3A_20 = arith.constant 40 : i32
    %barrier3A = arith.constant 0 : index
    tpu.barrier barrier_id(%barrier3A)
    %mul3A_21 = arith.constant 10000 : i32
    %mul3A_22 = arith.muli %add3A, %mul3A_21 : i32
    %add3A_23 = arith.constant 0 : i32
    %add3A_24 = arith.addi %mul3A_22, %add3A_23 : i32
    %dma_start3A = tpu.memref_slice %arg2[%add3A_24] : memref<320000xi32, #tpu.memory_space<hbm>> -> memref<128xi32, #tpu.memory_space<hbm>>
    %dma_start3A_25 = tpu.memref_slice %arg2[%add3A_24] : memref<320000xi32, #tpu.memory_space<hbm>> -> memref<128xi32, #tpu.memory_space<hbm>>
    tpu.enqueue_dma source(%dma_start3A_25 : memref<128xi32, #tpu.memory_space<hbm>>) target(%arg7 : memref<128xi32, #tpu.memory_space<vmem>>) target_semaphore(%arg20 : memref<!tpu.dma_semaphore, #tpu.memory_space<semaphore_mem>>)
    %dma_start3A_26 = tpu.memref_slice %arg3[%add3A_24] : memref<320000xi32, #tpu.memory_space<hbm>> -> memref<128xi32, #tpu.memory_space<hbm>>
    %dma_start3A_27 = tpu.memref_slice %arg3[%add3A_24] : memref<320000xi32, #tpu.memory_space<hbm>> -> memref<128xi32, #tpu.memory_space<hbm>>
    tpu.enqueue_dma source(%dma_start3A_27 : memref<128xi32, #tpu.memory_space<hbm>>) target(%arg9 : memref<128xi32, #tpu.memory_space<vmem>>) target_semaphore(%arg20 : memref<!tpu.dma_semaphore, #tpu.memory_space<semaphore_mem>>)
    %mul3A_28 = arith.constant 10000 : i32
    %mul3A_29 = arith.muli %add3A, %mul3A_28 : i32
    %add3A_30 = arith.constant 128 : i32
    %add3A_31 = arith.addi %mul3A_29, %add3A_30 : i32
    %dma_start3A_32 = tpu.memref_slice %arg2[%add3A_31] : memref<320000xi32, #tpu.memory_space<hbm>> -> memref<128xi32, #tpu.memory_space<hbm>>
    %dma_start3A_33 = tpu.memref_slice %arg2[%add3A_31] : memref<320000xi32, #tpu.memory_space<hbm>> -> memref<128xi32, #tpu.memory_space<hbm>>
    tpu.enqueue_dma source(%dma_start3A_33 : memref<128xi32, #tpu.memory_space<hbm>>) target(%arg8 : memref<128xi32, #tpu.memory_space<vmem>>) target_semaphore(%arg21 : memref<!tpu.dma_semaphore, #tpu.memory_space<semaphore_mem>>)
    %dma_start3A_34 = tpu.memref_slice %arg3[%add3A_31] : memref<320000xi32, #tpu.memory_space<hbm>> -> memref<128xi32, #tpu.memory_space<hbm>>
    %dma_start3A_35 = tpu.memref_slice %arg3[%add3A_31] : memref<320000xi32, #tpu.memory_space<hbm>> -> memref<128xi32, #tpu.memory_space<hbm>>
    tpu.enqueue_dma source(%dma_start3A_35 : memref<128xi32, #tpu.memory_space<hbm>>) target(%arg10 : memref<128xi32, #tpu.memory_space<vmem>>) target_semaphore(%arg21 : memref<!tpu.dma_semaphore, #tpu.memory_space<semaphore_mem>>)
    %dma_wait3A = tpu.memref_slice %arg2[%add3A_24] : memref<320000xi32, #tpu.memory_space<hbm>> -> memref<128xi32, #tpu.memory_space<hbm>>
    %dma_wait3A_36 = tpu.memref_slice %arg2[%add3A_24] : memref<320000xi32, #tpu.memory_space<hbm>> -> memref<128xi32, #tpu.memory_space<hbm>>
    tpu.wait_dma2 semaphore(%arg20 : memref<!tpu.dma_semaphore, #tpu.memory_space<semaphore_mem>>) src(%dma_wait3A_36 : memref<128xi32, #tpu.memory_space<hbm>>) dst(%arg7 : memref<128xi32, #tpu.memory_space<vmem>>)
    %dma_wait3A_37 = tpu.memref_slice %arg3[%add3A_24] : memref<320000xi32, #tpu.memory_space<hbm>> -> memref<128xi32, #tpu.memory_space<hbm>>
    %dma_wait3A_38 = tpu.memref_slice %arg3[%add3A_24] : memref<320000xi32, #tpu.memory_space<hbm>> -> memref<128xi32, #tpu.memory_space<hbm>>
    tpu.wait_dma2 semaphore(%arg20 : memref<!tpu.dma_semaphore, #tpu.memory_space<semaphore_mem>>) src(%dma_wait3A_38 : memref<128xi32, #tpu.memory_space<hbm>>) dst(%arg9 : memref<128xi32, #tpu.memory_space<vmem>>)
    %dma_start3A_39 = arith.constant 0 : i32
    %dma_start3A_40 = arith.constant 0 : i32
    %dma_start3A_41 = tpu.memref_slice %arg4[%dma_start3A_39, %dma_start3A_40] : memref<10000x128xf32, #tpu.memory_space<hbm>> -> memref<10000x128xf32, #tpu.memory_space<hbm>>
    tpu.enqueue_indirect_dma source(%dma_start3A_41 : memref<10000x128xf32, #tpu.memory_space<hbm>>) target(%arg11 : memref<128x128xf32, #tpu.memory_space<vmem>>) offsets(%arg7 : memref<128xi32, #tpu.memory_space<vmem>>) semaphore(%arg18 : memref<!tpu.dma_semaphore, #tpu.memory_space<semaphore_mem>>)
    %dma_wait3A_42 = tpu.memref_slice %arg2[%add3A_31] : memref<320000xi32, #tpu.memory_space<hbm>> -> memref<128xi32, #tpu.memory_space<hbm>>
    %dma_wait3A_43 = tpu.memref_slice %arg2[%add3A_31] : memref<320000xi32, #tpu.memory_space<hbm>> -> memref<128xi32, #tpu.memory_space<hbm>>
    tpu.wait_dma2 semaphore(%arg21 : memref<!tpu.dma_semaphore, #tpu.memory_space<semaphore_mem>>) src(%dma_wait3A_43 : memref<128xi32, #tpu.memory_space<hbm>>) dst(%arg8 : memref<128xi32, #tpu.memory_space<vmem>>)
    %dma_wait3A_44 = tpu.memref_slice %arg3[%add3A_31] : memref<320000xi32, #tpu.memory_space<hbm>> -> memref<128xi32, #tpu.memory_space<hbm>>
    %dma_wait3A_45 = tpu.memref_slice %arg3[%add3A_31] : memref<320000xi32, #tpu.memory_space<hbm>> -> memref<128xi32, #tpu.memory_space<hbm>>
    tpu.wait_dma2 semaphore(%arg21 : memref<!tpu.dma_semaphore, #tpu.memory_space<semaphore_mem>>) src(%dma_wait3A_45 : memref<128xi32, #tpu.memory_space<hbm>>) dst(%arg10 : memref<128xi32, #tpu.memory_space<vmem>>)
    %dma_start3A_46 = arith.constant 0 : i32
    %dma_start3A_47 = arith.constant 0 : i32
    %dma_start3A_48 = tpu.memref_slice %arg4[%dma_start3A_46, %dma_start3A_47] : memref<10000x128xf32, #tpu.memory_space<hbm>> -> memref<10000x128xf32, #tpu.memory_space<hbm>>
    tpu.enqueue_indirect_dma source(%dma_start3A_48 : memref<10000x128xf32, #tpu.memory_space<hbm>>) target(%arg12 : memref<128x128xf32, #tpu.memory_space<vmem>>) offsets(%arg8 : memref<128xi32, #tpu.memory_space<vmem>>) semaphore(%arg19 : memref<!tpu.dma_semaphore, #tpu.memory_space<semaphore_mem>>)
    %dma_wait3A_49 = arith.constant 0 : i32
    %dma_wait3A_50 = arith.constant 0 : i32
    %dma_wait3A_51 = tpu.memref_slice %arg4[%dma_wait3A_49, %dma_wait3A_50] : memref<10000x128xf32, #tpu.memory_space<hbm>> -> memref<10000x128xf32, #tpu.memory_space<hbm>>
    tpu.wait_indirect_dma semaphore(%arg18 : memref<!tpu.dma_semaphore, #tpu.memory_space<semaphore_mem>>) src(%dma_wait3A_51 : memref<10000x128xf32, #tpu.memory_space<hbm>>) dst(%arg11 : memref<128x128xf32, #tpu.memory_space<vmem>>)
    %get3A = arith.constant 0 : index
    %get3A_52 = tpu.vector_load %arg9[%get3A] {strides = array<i32>} : memref<128xi32, #tpu.memory_space<vmem>>, vector<16xi32>,
    tpu.vector_store_idx %arg16[%get3A_52], %broadcast_in_dim3A_3 {add = true} : memref<10240xf32, #tpu.memory_space<vmem>>[vector<16xi32>], vector<16xf32>,
    %get3A_53 = arith.constant 16 : index
    %get3A_54 = tpu.vector_load %arg9[%get3A_53] {strides = array<i32>} : memref<128xi32, #tpu.memory_space<vmem>>, vector<16xi32>,
    tpu.vector_store_idx %arg16[%get3A_54], %broadcast_in_dim3A_3 {add = true} : memref<10240xf32, #tpu.memory_space<vmem>>[vector<16xi32>], vector<16xf32>,
    %get3A_55 = arith.constant 32 : index
    %get3A_56 = tpu.vector_load %arg9[%get3A_55] {strides = array<i32>} : memref<128xi32, #tpu.memory_space<vmem>>, vector<16xi32>,
    tpu.vector_store_idx %arg16[%get3A_56], %broadcast_in_dim3A_3 {add = true} : memref<10240xf32, #tpu.memory_space<vmem>>[vector<16xi32>], vector<16xf32>,
    %get3A_57 = arith.constant 48 : index
    %get3A_58 = tpu.vector_load %arg9[%get3A_57] {strides = array<i32>} : memref<128xi32, #tpu.memory_space<vmem>>, vector<16xi32>,
    tpu.vector_store_idx %arg16[%get3A_58], %broadcast_in_dim3A_3 {add = true} : memref<10240xf32, #tpu.memory_space<vmem>>[vector<16xi32>], vector<16xf32>,
    %get3A_59 = arith.constant 64 : index
    %get3A_60 = tpu.vector_load %arg9[%get3A_59] {strides = array<i32>} : memref<128xi32, #tpu.memory_space<vmem>>, vector<16xi32>,
    tpu.vector_store_idx %arg16[%get3A_60], %broadcast_in_dim3A_3 {add = true} : memref<10240xf32, #tpu.memory_space<vmem>>[vector<16xi32>], vector<16xf32>,
    %get3A_61 = arith.constant 80 : index
    %get3A_62 = tpu.vector_load %arg9[%get3A_61] {strides = array<i32>} : memref<128xi32, #tpu.memory_space<vmem>>, vector<16xi32>,
    tpu.vector_store_idx %arg16[%get3A_62], %broadcast_in_dim3A_3 {add = true} : memref<10240xf32, #tpu.memory_space<vmem>>[vector<16xi32>], vector<16xf32>,
    %get3A_63 = arith.constant 96 : index
    %get3A_64 = tpu.vector_load %arg9[%get3A_63] {strides = array<i32>} : memref<128xi32, #tpu.memory_space<vmem>>, vector<16xi32>,
    tpu.vector_store_idx %arg16[%get3A_64], %broadcast_in_dim3A_3 {add = true} : memref<10240xf32, #tpu.memory_space<vmem>>[vector<16xi32>], vector<16xf32>,
    %get3A_65 = arith.constant 112 : index
    %get3A_66 = tpu.vector_load %arg9[%get3A_65] {strides = array<i32>} : memref<128xi32, #tpu.memory_space<vmem>>, vector<16xi32>,
    tpu.vector_store_idx %arg16[%get3A_66], %broadcast_in_dim3A_3 {add = true} : memref<10240xf32, #tpu.memory_space<vmem>>[vector<16xi32>], vector<16xf32>,
    %dma_start3A_67 = arith.constant 0 : i32
    %dma_start3A_68 = arith.constant 0 : i32
    %dma_start3A_69 = tpu.memref_slice %arg17[%dma_start3A_67, %dma_start3A_68] : memref<10240x128xf32, #tpu.memory_space<vmem_shared>> -> memref<10240x128xf32, #tpu.memory_space<vmem_shared>>
    tpu.enqueue_indirect_dma source(%arg11 : memref<128x128xf32, #tpu.memory_space<vmem>>) target(%dma_start3A_69 : memref<10240x128xf32, #tpu.memory_space<vmem_shared>>) offsets(%arg9 : memref<128xi32, #tpu.memory_space<vmem>>) semaphore(%arg22 : memref<!tpu.dma_semaphore, #tpu.memory_space<semaphore_mem>>) {add = true}
    %dma_wait3A_70 = arith.constant 0 : i32
    %dma_wait3A_71 = arith.constant 0 : i32
    %dma_wait3A_72 = tpu.memref_slice %arg4[%dma_wait3A_70, %dma_wait3A_71] : memref<10000x128xf32, #tpu.memory_space<hbm>> -> memref<10000x128xf32, #tpu.memory_space<hbm>>
    tpu.wait_indirect_dma semaphore(%arg19 : memref<!tpu.dma_semaphore, #tpu.memory_space<semaphore_mem>>) src(%dma_wait3A_72 : memref<10000x128xf32, #tpu.memory_space<hbm>>) dst(%arg12 : memref<128x128xf32, #tpu.memory_space<vmem>>)
    %get3A_73 = arith.constant 0 : index
    %get3A_74 = tpu.vector_load %arg10[%get3A_73] {strides = array<i32>} : memref<128xi32, #tpu.memory_space<vmem>>, vector<16xi32>,
    tpu.vector_store_idx %arg16[%get3A_74], %broadcast_in_dim3A_3 {add = true} : memref<10240xf32, #tpu.memory_space<vmem>>[vector<16xi32>], vector<16xf32>,
    %get3A_75 = arith.constant 16 : index
    %get3A_76 = tpu.vector_load %arg10[%get3A_75] {strides = array<i32>} : memref<128xi32, #tpu.memory_space<vmem>>, vector<16xi32>,
    tpu.vector_store_idx %arg16[%get3A_76], %broadcast_in_dim3A_3 {add = true} : memref<10240xf32, #tpu.memory_space<vmem>>[vector<16xi32>], vector<16xf32>,
    %get3A_77 = arith.constant 32 : index
    %get3A_78 = tpu.vector_load %arg10[%get3A_77] {strides = array<i32>} : memref<128xi32, #tpu.memory_space<vmem>>, vector<16xi32>,
    tpu.vector_store_idx %arg16[%get3A_78], %broadcast_in_dim3A_3 {add = true} : memref<10240xf32, #tpu.memory_space<vmem>>[vector<16xi32>], vector<16xf32>,
    %get3A_79 = arith.constant 48 : index
    %get3A_80 = tpu.vector_load %arg10[%get3A_79] {strides = array<i32>} : memref<128xi32, #tpu.memory_space<vmem>>, vector<16xi32>,
    tpu.vector_store_idx %arg16[%get3A_80], %broadcast_in_dim3A_3 {add = true} : memref<10240xf32, #tpu.memory_space<vmem>>[vector<16xi32>], vector<16xf32>,
    %get3A_81 = arith.constant 64 : index
    %get3A_82 = tpu.vector_load %arg10[%get3A_81] {strides = array<i32>} : memref<128xi32, #tpu.memory_space<vmem>>, vector<16xi32>,
    tpu.vector_store_idx %arg16[%get3A_82], %broadcast_in_dim3A_3 {add = true} : memref<10240xf32, #tpu.memory_space<vmem>>[vector<16xi32>], vector<16xf32>,
    %get3A_83 = arith.constant 80 : index
    %get3A_84 = tpu.vector_load %arg10[%get3A_83] {strides = array<i32>} : memref<128xi32, #tpu.memory_space<vmem>>, vector<16xi32>,
    tpu.vector_store_idx %arg16[%get3A_84], %broadcast_in_dim3A_3 {add = true} : memref<10240xf32, #tpu.memory_space<vmem>>[vector<16xi32>], vector<16xf32>,
    %get3A_85 = arith.constant 96 : index
    %get3A_86 = tpu.vector_load %arg10[%get3A_85] {strides = array<i32>} : memref<128xi32, #tpu.memory_space<vmem>>, vector<16xi32>,
    tpu.vector_store_idx %arg16[%get3A_86], %broadcast_in_dim3A_3 {add = true} : memref<10240xf32, #tpu.memory_space<vmem>>[vector<16xi32>], vector<16xf32>,
    %get3A_87 = arith.constant 112 : index
    %get3A_88 = tpu.vector_load %arg10[%get3A_87] {strides = array<i32>} : memref<128xi32, #tpu.memory_space<vmem>>, vector<16xi32>,
    tpu.vector_store_idx %arg16[%get3A_88], %broadcast_in_dim3A_3 {add = true} : memref<10240xf32, #tpu.memory_space<vmem>>[vector<16xi32>], vector<16xf32>,
    %dma_start3A_89 = arith.constant 0 : i32
    %dma_start3A_90 = arith.constant 0 : i32
    %dma_start3A_91 = tpu.memref_slice %arg17[%dma_start3A_89, %dma_start3A_90] : memref<10240x128xf32, #tpu.memory_space<vmem_shared>> -> memref<10240x128xf32, #tpu.memory_space<vmem_shared>>
    tpu.enqueue_indirect_dma source(%arg12 : memref<128x128xf32, #tpu.memory_space<vmem>>) target(%dma_start3A_91 : memref<10240x128xf32, #tpu.memory_space<vmem_shared>>) offsets(%arg10 : memref<128xi32, #tpu.memory_space<vmem>>) semaphore(%arg23 : memref<!tpu.dma_semaphore, #tpu.memory_space<semaphore_mem>>) {add = true}
    %scan3A_92 = arith.constant 0 : i32
    %scan3A_93 = arith.constant 0 : i32
    %scan3A_94 = arith.constant 38 : i32
    %scan3A_95 = arith.addi %scan3A_93, %scan3A_94 : i32
    %scan3A_96 = arith.constant 1 : i32
    scf.for %scan3A_124 = %scan3A_93 to %scan3A_95 step %scan3A_96  : i32 {
      %add3A_125 = arith.constant 1 : i32
      %add3A_126 = arith.addi %scan3A_124, %add3A_125 : i32
      %mul3A_127 = arith.constant 2 : i32
      %mul3A_128 = arith.muli %mul3A_127, %add3A_126 : i32
      %dma_wait3A_129 = arith.constant 0 : i32
      %dma_wait3A_130 = arith.constant 0 : i32
      %dma_wait3A_131 = tpu.memref_slice %arg17[%dma_wait3A_129, %dma_wait3A_130] : memref<10240x128xf32, #tpu.memory_space<vmem_shared>> -> memref<10240x128xf32, #tpu.memory_space<vmem_shared>>
      tpu.wait_indirect_dma semaphore(%arg22 : memref<!tpu.dma_semaphore, #tpu.memory_space<semaphore_mem>>) src(%arg11 : memref<128x128xf32, #tpu.memory_space<vmem>>) dst(%dma_wait3A_131 : memref<10240x128xf32, #tpu.memory_space<vmem_shared>>)
      %dma_wait3A_132 = arith.constant 0 : i32
      %dma_wait3A_133 = arith.constant 0 : i32
      %dma_wait3A_134 = tpu.memref_slice %arg17[%dma_wait3A_132, %dma_wait3A_133] : memref<10240x128xf32, #tpu.memory_space<vmem_shared>> -> memref<10240x128xf32, #tpu.memory_space<vmem_shared>>
      tpu.wait_indirect_dma semaphore(%arg23 : memref<!tpu.dma_semaphore, #tpu.memory_space<semaphore_mem>>) src(%arg12 : memref<128x128xf32, #tpu.memory_space<vmem>>) dst(%dma_wait3A_134 : memref<10240x128xf32, #tpu.memory_space<vmem_shared>>)
      %mul3A_135 = arith.constant 10000 : i32
      %mul3A_136 = arith.muli %add3A, %mul3A_135 : i32
      %add3A_137 = arith.constant 0 : i32
      %add3A_138 = arith.addi %mul3A_128, %add3A_137 : i32
      %mul3A_139 = arith.constant 128 : i32
      %mul3A_140 = arith.muli %add3A_138, %mul3A_139 : i32
      %add3A_141 = arith.addi %mul3A_136, %mul3A_140 : i32
      %dma_start3A_142 = tpu.memref_slice %arg2[%add3A_141] : memref<320000xi32, #tpu.memory_space<hbm>> -> memref<128xi32, #tpu.memory_space<hbm>>
      %dma_start3A_143 = tpu.memref_slice %arg2[%add3A_141] : memref<320000xi32, #tpu.memory_space<hbm>> -> memref<128xi32, #tpu.memory_space<hbm>>
      tpu.enqueue_dma source(%dma_start3A_143 : memref<128xi32, #tpu.memory_space<hbm>>) target(%arg7 : memref<128xi32, #tpu.memory_space<vmem>>) target_semaphore(%arg20 : memref<!tpu.dma_semaphore, #tpu.memory_space<semaphore_mem>>)
      %dma_start3A_144 = tpu.memref_slice %arg3[%add3A_141] : memref<320000xi32, #tpu.memory_space<hbm>> -> memref<128xi32, #tpu.memory_space<hbm>>
      %dma_start3A_145 = tpu.memref_slice %arg3[%add3A_141] : memref<320000xi32, #tpu.memory_space<hbm>> -> memref<128xi32, #tpu.memory_space<hbm>>
      tpu.enqueue_dma source(%dma_start3A_145 : memref<128xi32, #tpu.memory_space<hbm>>) target(%arg9 : memref<128xi32, #tpu.memory_space<vmem>>) target_semaphore(%arg20 : memref<!tpu.dma_semaphore, #tpu.memory_space<semaphore_mem>>)
      %mul3A_146 = arith.constant 10000 : i32
      %mul3A_147 = arith.muli %add3A, %mul3A_146 : i32
      %add3A_148 = arith.constant 1 : i32
      %add3A_149 = arith.addi %mul3A_128, %add3A_148 : i32
      %mul3A_150 = arith.constant 128 : i32
      %mul3A_151 = arith.muli %add3A_149, %mul3A_150 : i32
      %add3A_152 = arith.addi %mul3A_147, %mul3A_151 : i32
      %dma_start3A_153 = tpu.memref_slice %arg2[%add3A_152] : memref<320000xi32, #tpu.memory_space<hbm>> -> memref<128xi32, #tpu.memory_space<hbm>>
      %dma_start3A_154 = tpu.memref_slice %arg2[%add3A_152] : memref<320000xi32, #tpu.memory_space<hbm>> -> memref<128xi32, #tpu.memory_space<hbm>>
      tpu.enqueue_dma source(%dma_start3A_154 : memref<128xi32, #tpu.memory_space<hbm>>) target(%arg8 : memref<128xi32, #tpu.memory_space<vmem>>) target_semaphore(%arg21 : memref<!tpu.dma_semaphore, #tpu.memory_space<semaphore_mem>>)
      %dma_start3A_155 = tpu.memref_slice %arg3[%add3A_152] : memref<320000xi32, #tpu.memory_space<hbm>> -> memref<128xi32, #tpu.memory_space<hbm>>
      %dma_start3A_156 = tpu.memref_slice %arg3[%add3A_152] : memref<320000xi32, #tpu.memory_space<hbm>> -> memref<128xi32, #tpu.memory_space<hbm>>
      tpu.enqueue_dma source(%dma_start3A_156 : memref<128xi32, #tpu.memory_space<hbm>>) target(%arg10 : memref<128xi32, #tpu.memory_space<vmem>>) target_semaphore(%arg21 : memref<!tpu.dma_semaphore, #tpu.memory_space<semaphore_mem>>)
      %dma_wait3A_157 = tpu.memref_slice %arg2[%add3A_141] : memref<320000xi32, #tpu.memory_space<hbm>> -> memref<128xi32, #tpu.memory_space<hbm>>
      %dma_wait3A_158 = tpu.memref_slice %arg2[%add3A_141] : memref<320000xi32, #tpu.memory_space<hbm>> -> memref<128xi32, #tpu.memory_space<hbm>>
      tpu.wait_dma2 semaphore(%arg20 : memref<!tpu.dma_semaphore, #tpu.memory_space<semaphore_mem>>) src(%dma_wait3A_158 : memref<128xi32, #tpu.memory_space<hbm>>) dst(%arg7 : memref<128xi32, #tpu.memory_space<vmem>>)
      %dma_wait3A_159 = tpu.memref_slice %arg3[%add3A_141] : memref<320000xi32, #tpu.memory_space<hbm>> -> memref<128xi32, #tpu.memory_space<hbm>>
      %dma_wait3A_160 = tpu.memref_slice %arg3[%add3A_141] : memref<320000xi32, #tpu.memory_space<hbm>> -> memref<128xi32, #tpu.memory_space<hbm>>
      tpu.wait_dma2 semaphore(%arg20 : memref<!tpu.dma_semaphore, #tpu.memory_space<semaphore_mem>>) src(%dma_wait3A_160 : memref<128xi32, #tpu.memory_space<hbm>>) dst(%arg9 : memref<128xi32, #tpu.memory_space<vmem>>)
      %dma_start3A_161 = arith.constant 0 : i32
      %dma_start3A_162 = arith.constant 0 : i32
      %dma_start3A_163 = tpu.memref_slice %arg4[%dma_start3A_161, %dma_start3A_162] : memref<10000x128xf32, #tpu.memory_space<hbm>> -> memref<10000x128xf32, #tpu.memory_space<hbm>>
      tpu.enqueue_indirect_dma source(%dma_start3A_163 : memref<10000x128xf32, #tpu.memory_space<hbm>>) target(%arg11 : memref<128x128xf32, #tpu.memory_space<vmem>>) offsets(%arg7 : memref<128xi32, #tpu.memory_space<vmem>>) semaphore(%arg18 : memref<!tpu.dma_semaphore, #tpu.memory_space<semaphore_mem>>)
      %dma_wait3A_164 = tpu.memref_slice %arg2[%add3A_152] : memref<320000xi32, #tpu.memory_space<hbm>> -> memref<128xi32, #tpu.memory_space<hbm>>
      %dma_wait3A_165 = tpu.memref_slice %arg2[%add3A_152] : memref<320000xi32, #tpu.memory_space<hbm>> -> memref<128xi32, #tpu.memory_space<hbm>>
      tpu.wait_dma2 semaphore(%arg21 : memref<!tpu.dma_semaphore, #tpu.memory_space<semaphore_mem>>) src(%dma_wait3A_165 : memref<128xi32, #tpu.memory_space<hbm>>) dst(%arg8 : memref<128xi32, #tpu.memory_space<vmem>>)
      %dma_wait3A_166 = tpu.memref_slice %arg3[%add3A_152] : memref<320000xi32, #tpu.memory_space<hbm>> -> memref<128xi32, #tpu.memory_space<hbm>>
      %dma_wait3A_167 = tpu.memref_slice %arg3[%add3A_152] : memref<320000xi32, #tpu.memory_space<hbm>> -> memref<128xi32, #tpu.memory_space<hbm>>
      tpu.wait_dma2 semaphore(%arg21 : memref<!tpu.dma_semaphore, #tpu.memory_space<semaphore_mem>>) src(%dma_wait3A_167 : memref<128xi32, #tpu.memory_space<hbm>>) dst(%arg10 : memref<128xi32, #tpu.memory_space<vmem>>)
      %dma_start3A_168 = arith.constant 0 : i32
      %dma_start3A_169 = arith.constant 0 : i32
      %dma_start3A_170 = tpu.memref_slice %arg4[%dma_start3A_168, %dma_start3A_169] : memref<10000x128xf32, #tpu.memory_space<hbm>> -> memref<10000x128xf32, #tpu.memory_space<hbm>>
      tpu.enqueue_indirect_dma source(%dma_start3A_170 : memref<10000x128xf32, #tpu.memory_space<hbm>>) target(%arg12 : memref<128x128xf32, #tpu.memory_space<vmem>>) offsets(%arg8 : memref<128xi32, #tpu.memory_space<vmem>>) semaphore(%arg19 : memref<!tpu.dma_semaphore, #tpu.memory_space<semaphore_mem>>)
      %dma_wait3A_171 = arith.constant 0 : i32
      %dma_wait3A_172 = arith.constant 0 : i32
      %dma_wait3A_173 = tpu.memref_slice %arg4[%dma_wait3A_171, %dma_wait3A_172] : memref<10000x128xf32, #tpu.memory_space<hbm>> -> memref<10000x128xf32, #tpu.memory_space<hbm>>
      tpu.wait_indirect_dma semaphore(%arg18 : memref<!tpu.dma_semaphore, #tpu.memory_space<semaphore_mem>>) src(%dma_wait3A_173 : memref<10000x128xf32, #tpu.memory_space<hbm>>) dst(%arg11 : memref<128x128xf32, #tpu.memory_space<vmem>>)
      %get3A_174 = arith.constant 0 : index
      %get3A_175 = tpu.vector_load %arg9[%get3A_174] {strides = array<i32>} : memref<128xi32, #tpu.memory_space<vmem>>, vector<16xi32>,
      tpu.vector_store_idx %arg16[%get3A_175], %broadcast_in_dim3A_3 {add = true} : memref<10240xf32, #tpu.memory_space<vmem>>[vector<16xi32>], vector<16xf32>,
      %get3A_176 = arith.constant 16 : index
      %get3A_177 = tpu.vector_load %arg9[%get3A_176] {strides = array<i32>} : memref<128xi32, #tpu.memory_space<vmem>>, vector<16xi32>,
      tpu.vector_store_idx %arg16[%get3A_177], %broadcast_in_dim3A_3 {add = true} : memref<10240xf32, #tpu.memory_space<vmem>>[vector<16xi32>], vector<16xf32>,
      %get3A_178 = arith.constant 32 : index
      %get3A_179 = tpu.vector_load %arg9[%get3A_178] {strides = array<i32>} : memref<128xi32, #tpu.memory_space<vmem>>, vector<16xi32>,
      tpu.vector_store_idx %arg16[%get3A_179], %broadcast_in_dim3A_3 {add = true} : memref<10240xf32, #tpu.memory_space<vmem>>[vector<16xi32>], vector<16xf32>,
      %get3A_180 = arith.constant 48 : index
      %get3A_181 = tpu.vector_load %arg9[%get3A_180] {strides = array<i32>} : memref<128xi32, #tpu.memory_space<vmem>>, vector<16xi32>,
      tpu.vector_store_idx %arg16[%get3A_181], %broadcast_in_dim3A_3 {add = true} : memref<10240xf32, #tpu.memory_space<vmem>>[vector<16xi32>], vector<16xf32>,
      %get3A_182 = arith.constant 64 : index
      %get3A_183 = tpu.vector_load %arg9[%get3A_182] {strides = array<i32>} : memref<128xi32, #tpu.memory_space<vmem>>, vector<16xi32>,
      tpu.vector_store_idx %arg16[%get3A_183], %broadcast_in_dim3A_3 {add = true} : memref<10240xf32, #tpu.memory_space<vmem>>[vector<16xi32>], vector<16xf32>,
      %get3A_184 = arith.constant 80 : index
      %get3A_185 = tpu.vector_load %arg9[%get3A_184] {strides = array<i32>} : memref<128xi32, #tpu.memory_space<vmem>>, vector<16xi32>,
      tpu.vector_store_idx %arg16[%get3A_185], %broadcast_in_dim3A_3 {add = true} : memref<10240xf32, #tpu.memory_space<vmem>>[vector<16xi32>], vector<16xf32>,
      %get3A_186 = arith.constant 96 : index
      %get3A_187 = tpu.vector_load %arg9[%get3A_186] {strides = array<i32>} : memref<128xi32, #tpu.memory_space<vmem>>, vector<16xi32>,
      tpu.vector_store_idx %arg16[%get3A_187], %broadcast_in_dim3A_3 {add = true} : memref<10240xf32, #tpu.memory_space<vmem>>[vector<16xi32>], vector<16xf32>,
      %get3A_188 = arith.constant 112 : index
      %get3A_189 = tpu.vector_load %arg9[%get3A_188] {strides = array<i32>} : memref<128xi32, #tpu.memory_space<vmem>>, vector<16xi32>,
      tpu.vector_store_idx %arg16[%get3A_189], %broadcast_in_dim3A_3 {add = true} : memref<10240xf32, #tpu.memory_space<vmem>>[vector<16xi32>], vector<16xf32>,
      %dma_start3A_190 = arith.constant 0 : i32
      %dma_start3A_191 = arith.constant 0 : i32
      %dma_start3A_192 = tpu.memref_slice %arg17[%dma_start3A_190, %dma_start3A_191] : memref<10240x128xf32, #tpu.memory_space<vmem_shared>> -> memref<10240x128xf32, #tpu.memory_space<vmem_shared>>
      tpu.enqueue_indirect_dma source(%arg11 : memref<128x128xf32, #tpu.memory_space<vmem>>) target(%dma_start3A_192 : memref<10240x128xf32, #tpu.memory_space<vmem_shared>>) offsets(%arg9 : memref<128xi32, #tpu.memory_space<vmem>>) semaphore(%arg22 : memref<!tpu.dma_semaphore, #tpu.memory_space<semaphore_mem>>) {add = true}
      %dma_wait3A_193 = arith.constant 0 : i32
      %dma_wait3A_194 = arith.constant 0 : i32
      %dma_wait3A_195 = tpu.memref_slice %arg4[%dma_wait3A_193, %dma_wait3A_194] : memref<10000x128xf32, #tpu.memory_space<hbm>> -> memref<10000x128xf32, #tpu.memory_space<hbm>>
      tpu.wait_indirect_dma semaphore(%arg19 : memref<!tpu.dma_semaphore, #tpu.memory_space<semaphore_mem>>) src(%dma_wait3A_195 : memref<10000x128xf32, #tpu.memory_space<hbm>>) dst(%arg12 : memref<128x128xf32, #tpu.memory_space<vmem>>)
      %get3A_196 = arith.constant 0 : index
      %get3A_197 = tpu.vector_load %arg10[%get3A_196] {strides = array<i32>} : memref<128xi32, #tpu.memory_space<vmem>>, vector<16xi32>,
      tpu.vector_store_idx %arg16[%get3A_197], %broadcast_in_dim3A_3 {add = true} : memref<10240xf32, #tpu.memory_space<vmem>>[vector<16xi32>], vector<16xf32>,
      %get3A_198 = arith.constant 16 : index
      %get3A_199 = tpu.vector_load %arg10[%get3A_198] {strides = array<i32>} : memref<128xi32, #tpu.memory_space<vmem>>, vector<16xi32>,
      tpu.vector_store_idx %arg16[%get3A_199], %broadcast_in_dim3A_3 {add = true} : memref<10240xf32, #tpu.memory_space<vmem>>[vector<16xi32>], vector<16xf32>,
      %get3A_200 = arith.constant 32 : index
      %get3A_201 = tpu.vector_load %arg10[%get3A_200] {strides = array<i32>} : memref<128xi32, #tpu.memory_space<vmem>>, vector<16xi32>,
      tpu.vector_store_idx %arg16[%get3A_201], %broadcast_in_dim3A_3 {add = true} : memref<10240xf32, #tpu.memory_space<vmem>>[vector<16xi32>], vector<16xf32>,
      %get3A_202 = arith.constant 48 : index
      %get3A_203 = tpu.vector_load %arg10[%get3A_202] {strides = array<i32>} : memref<128xi32, #tpu.memory_space<vmem>>, vector<16xi32>,
      tpu.vector_store_idx %arg16[%get3A_203], %broadcast_in_dim3A_3 {add = true} : memref<10240xf32, #tpu.memory_space<vmem>>[vector<16xi32>], vector<16xf32>,
      %get3A_204 = arith.constant 64 : index
      %get3A_205 = tpu.vector_load %arg10[%get3A_204] {strides = array<i32>} : memref<128xi32, #tpu.memory_space<vmem>>, vector<16xi32>,
      tpu.vector_store_idx %arg16[%get3A_205], %broadcast_in_dim3A_3 {add = true} : memref<10240xf32, #tpu.memory_space<vmem>>[vector<16xi32>], vector<16xf32>,
      %get3A_206 = arith.constant 80 : index
      %get3A_207 = tpu.vector_load %arg10[%get3A_206] {strides = array<i32>} : memref<128xi32, #tpu.memory_space<vmem>>, vector<16xi32>,
      tpu.vector_store_idx %arg16[%get3A_207], %broadcast_in_dim3A_3 {add = true} : memref<10240xf32, #tpu.memory_space<vmem>>[vector<16xi32>], vector<16xf32>,
      %get3A_208 = arith.constant 96 : index
      %get3A_209 = tpu.vector_load %arg10[%get3A_208] {strides = array<i32>} : memref<128xi32, #tpu.memory_space<vmem>>, vector<16xi32>,
      tpu.vector_store_idx %arg16[%get3A_209], %broadcast_in_dim3A_3 {add = true} : memref<10240xf32, #tpu.memory_space<vmem>>[vector<16xi32>], vector<16xf32>,
      %get3A_210 = arith.constant 112 : index
      %get3A_211 = tpu.vector_load %arg10[%get3A_210] {strides = array<i32>} : memref<128xi32, #tpu.memory_space<vmem>>, vector<16xi32>,
      tpu.vector_store_idx %arg16[%get3A_211], %broadcast_in_dim3A_3 {add = true} : memref<10240xf32, #tpu.memory_space<vmem>>[vector<16xi32>], vector<16xf32>,
      %dma_start3A_212 = arith.constant 0 : i32
      %dma_start3A_213 = arith.constant 0 : i32
      %dma_start3A_214 = tpu.memref_slice %arg17[%dma_start3A_212, %dma_start3A_213] : memref<10240x128xf32, #tpu.memory_space<vmem_shared>> -> memref<10240x128xf32, #tpu.memory_space<vmem_shared>>
      tpu.enqueue_indirect_dma source(%arg12 : memref<128x128xf32, #tpu.memory_space<vmem>>) target(%dma_start3A_214 : memref<10240x128xf32, #tpu.memory_space<vmem_shared>>) offsets(%arg10 : memref<128xi32, #tpu.memory_space<vmem>>) semaphore(%arg23 : memref<!tpu.dma_semaphore, #tpu.memory_space<semaphore_mem>>) {add = true}
    }
    %scan3A_97 = arith.constant 38 : i32
    %mul3A_98 = arith.constant 10000 : i32
    %mul3A_99 = arith.muli %add3A, %mul3A_98 : i32
    %add3A_100 = arith.constant 9984 : i32
    %add3A_101 = arith.addi %mul3A_99, %add3A_100 : i32
    "tpu.region"() ({
      %run_scoped3A = tpu.sem_alloc : memref<!tpu.dma_semaphore, #tpu.memory_space<semaphore_mem>>
      %dma_start3A_124 = tpu.memref_slice %arg2[%add3A_101] : memref<320000xi32, #tpu.memory_space<hbm>> -> memref<16xi32, #tpu.memory_space<hbm>>
      %dma_start3A_125 = tpu.memref_slice %arg2[%add3A_101] : memref<320000xi32, #tpu.memory_space<hbm>> -> memref<16xi32, #tpu.memory_space<hbm>>
      tpu.enqueue_dma source(%dma_start3A_125 : memref<16xi32, #tpu.memory_space<hbm>>) target(%arg13 : memref<16xi32, #tpu.memory_space<vmem>>) target_semaphore(%run_scoped3A : memref<!tpu.dma_semaphore, #tpu.memory_space<semaphore_mem>>)
      %dma_wait3A_126 = tpu.memref_slice %arg2[%add3A_101] : memref<320000xi32, #tpu.memory_space<hbm>> -> memref<16xi32, #tpu.memory_space<hbm>>
      %dma_wait3A_127 = tpu.memref_slice %arg2[%add3A_101] : memref<320000xi32, #tpu.memory_space<hbm>> -> memref<16xi32, #tpu.memory_space<hbm>>
      tpu.wait_dma2 semaphore(%run_scoped3A : memref<!tpu.dma_semaphore, #tpu.memory_space<semaphore_mem>>) src(%dma_wait3A_127 : memref<16xi32, #tpu.memory_space<hbm>>) dst(%arg13 : memref<16xi32, #tpu.memory_space<vmem>>)
      tpu.yield
    }) : () -> ()
    "tpu.region"() ({
      %run_scoped3A = tpu.sem_alloc : memref<!tpu.dma_semaphore, #tpu.memory_space<semaphore_mem>>
      %dma_start3A_124 = tpu.memref_slice %arg3[%add3A_101] : memref<320000xi32, #tpu.memory_space<hbm>> -> memref<16xi32, #tpu.memory_space<hbm>>
      %dma_start3A_125 = tpu.memref_slice %arg3[%add3A_101] : memref<320000xi32, #tpu.memory_space<hbm>> -> memref<16xi32, #tpu.memory_space<hbm>>
      tpu.enqueue_dma source(%dma_start3A_125 : memref<16xi32, #tpu.memory_space<hbm>>) target(%arg14 : memref<16xi32, #tpu.memory_space<vmem>>) target_semaphore(%run_scoped3A : memref<!tpu.dma_semaphore, #tpu.memory_space<semaphore_mem>>)
      %dma_wait3A_126 = tpu.memref_slice %arg3[%add3A_101] : memref<320000xi32, #tpu.memory_space<hbm>> -> memref<16xi32, #tpu.memory_space<hbm>>
      %dma_wait3A_127 = tpu.memref_slice %arg3[%add3A_101] : memref<320000xi32, #tpu.memory_space<hbm>> -> memref<16xi32, #tpu.memory_space<hbm>>
      tpu.wait_dma2 semaphore(%run_scoped3A : memref<!tpu.dma_semaphore, #tpu.memory_space<semaphore_mem>>) src(%dma_wait3A_127 : memref<16xi32, #tpu.memory_space<hbm>>) dst(%arg14 : memref<16xi32, #tpu.memory_space<vmem>>)
      tpu.yield
    }) : () -> ()
    %dma_start3A_102 = arith.constant 0 : i32
    %dma_start3A_103 = arith.constant 0 : i32
    %dma_start3A_104 = tpu.memref_slice %arg4[%dma_start3A_102, %dma_start3A_103] : memref<10000x128xf32, #tpu.memory_space<hbm>> -> memref<10000x128xf32, #tpu.memory_space<hbm>>
    tpu.enqueue_indirect_dma source(%dma_start3A_104 : memref<10000x128xf32, #tpu.memory_space<hbm>>) target(%arg15 : memref<16x128xf32, #tpu.memory_space<vmem>>) offsets(%arg13 : memref<16xi32, #tpu.memory_space<vmem>>) semaphore(%arg18 : memref<!tpu.dma_semaphore, #tpu.memory_space<semaphore_mem>>)
    %dma_wait3A_105 = arith.constant 0 : i32
    %dma_wait3A_106 = arith.constant 0 : i32
    %dma_wait3A_107 = tpu.memref_slice %arg4[%dma_wait3A_105, %dma_wait3A_106] : memref<10000x128xf32, #tpu.memory_space<hbm>> -> memref<10000x128xf32, #tpu.memory_space<hbm>>
    tpu.wait_indirect_dma semaphore(%arg18 : memref<!tpu.dma_semaphore, #tpu.memory_space<semaphore_mem>>) src(%dma_wait3A_107 : memref<10000x128xf32, #tpu.memory_space<hbm>>) dst(%arg15 : memref<16x128xf32, #tpu.memory_space<vmem>>)
    %get3A_108 = arith.constant 0 : index
    %get3A_109 = tpu.vector_load %arg14[%get3A_108] {strides = array<i32>} : memref<16xi32, #tpu.memory_space<vmem>>, vector<16xi32>,
    tpu.vector_store_idx %arg16[%get3A_109], %broadcast_in_dim3A_3 {add = true} : memref<10240xf32, #tpu.memory_space<vmem>>[vector<16xi32>], vector<16xf32>,
    "tpu.region"() ({
      %run_scoped3A = tpu.sem_alloc : memref<!tpu.dma_semaphore, #tpu.memory_space<semaphore_mem>>
      %dma_start3A_124 = arith.constant 0 : i32
      %dma_start3A_125 = arith.constant 0 : i32
      %dma_start3A_126 = tpu.memref_slice %arg17[%dma_start3A_124, %dma_start3A_125] : memref<10240x128xf32, #tpu.memory_space<vmem_shared>> -> memref<10240x128xf32, #tpu.memory_space<vmem_shared>>
      tpu.enqueue_indirect_dma source(%arg15 : memref<16x128xf32, #tpu.memory_space<vmem>>) target(%dma_start3A_126 : memref<10240x128xf32, #tpu.memory_space<vmem_shared>>) offsets(%arg14 : memref<16xi32, #tpu.memory_space<vmem>>) semaphore(%run_scoped3A : memref<!tpu.dma_semaphore, #tpu.memory_space<semaphore_mem>>) {add = true}
      %dma_wait3A_127 = arith.constant 0 : i32
      %dma_wait3A_128 = arith.constant 0 : i32
      %dma_wait3A_129 = tpu.memref_slice %arg17[%dma_wait3A_127, %dma_wait3A_128] : memref<10240x128xf32, #tpu.memory_space<vmem_shared>> -> memref<10240x128xf32, #tpu.memory_space<vmem_shared>>
      tpu.wait_indirect_dma semaphore(%run_scoped3A : memref<!tpu.dma_semaphore, #tpu.memory_space<semaphore_mem>>) src(%arg15 : memref<16x128xf32, #tpu.memory_space<vmem>>) dst(%dma_wait3A_129 : memref<10240x128xf32, #tpu.memory_space<vmem_shared>>)
      tpu.yield
    }) : () -> ()
    %dma_wait3A_110 = arith.constant 0 : i32
    %dma_wait3A_111 = arith.constant 0 : i32
    %dma_wait3A_112 = tpu.memref_slice %arg17[%dma_wait3A_110, %dma_wait3A_111] : memref<10240x128xf32, #tpu.memory_space<vmem_shared>> -> memref<10240x128xf32, #tpu.memory_space<vmem_shared>>
    tpu.wait_indirect_dma semaphore(%arg22 : memref<!tpu.dma_semaphore, #tpu.memory_space<semaphore_mem>>) src(%arg11 : memref<128x128xf32, #tpu.memory_space<vmem>>) dst(%dma_wait3A_112 : memref<10240x128xf32, #tpu.memory_space<vmem_shared>>)
    %dma_wait3A_113 = arith.constant 0 : i32
    %dma_wait3A_114 = arith.constant 0 : i32
    %dma_wait3A_115 = tpu.memref_slice %arg17[%dma_wait3A_113, %dma_wait3A_114] : memref<10240x128xf32, #tpu.memory_space<vmem_shared>> -> memref<10240x128xf32, #tpu.memory_space<vmem_shared>>
    tpu.wait_indirect_dma semaphore(%arg23 : memref<!tpu.dma_semaphore, #tpu.memory_space<semaphore_mem>>) src(%arg12 : memref<128x128xf32, #tpu.memory_space<vmem>>) dst(%dma_wait3A_115 : memref<10240x128xf32, #tpu.memory_space<vmem_shared>>)
    %barrier3A_116 = arith.constant 0 : index
    tpu.barrier barrier_id(%barrier3A_116)
    %mul3A_117 = arith.constant 640 : i32
    %mul3A_118 = arith.muli %arg1, %mul3A_117 : i32
    %mul3A_119 = arith.constant 10240 : i32
    %mul3A_120 = arith.muli %arg0, %mul3A_119 : i32
    %add3A_121 = arith.addi %mul3A_120, %mul3A_118 : i32
    "tpu.region"() ({
      %run_scoped3A = tpu.sem_alloc : memref<!tpu.dma_semaphore, #tpu.memory_space<semaphore_mem>>
      %dma_start3A_124 = arith.constant 0 : i32
      %dma_start3A_125 = tpu.memref_slice %arg5[%add3A_121, %dma_start3A_124] : memref<20480x128xf32, #tpu.memory_space<hbm>> -> memref<640x128xf32, #tpu.memory_space<hbm>>
      %dma_start3A_126 = arith.constant 0 : i32
      %dma_start3A_127 = tpu.memref_slice %arg17[%mul3A_118, %dma_start3A_126] : memref<10240x128xf32, #tpu.memory_space<vmem_shared>> -> memref<640x128xf32, #tpu.memory_space<vmem_shared>>
      tpu.enqueue_dma source(%dma_start3A_127 : memref<640x128xf32, #tpu.memory_space<vmem_shared>>) target(%dma_start3A_125 : memref<640x128xf32, #tpu.memory_space<hbm>>) target_semaphore(%run_scoped3A : memref<!tpu.dma_semaphore, #tpu.memory_space<semaphore_mem>>)
      %dma_wait3A_128 = arith.constant 0 : i32
      %dma_wait3A_129 = tpu.memref_slice %arg5[%add3A_121, %dma_wait3A_128] : memref<20480x128xf32, #tpu.memory_space<hbm>> -> memref<640x128xf32, #tpu.memory_space<hbm>>
      %dma_wait3A_130 = arith.constant 0 : i32
      %dma_wait3A_131 = tpu.memref_slice %arg17[%mul3A_118, %dma_wait3A_130] : memref<10240x128xf32, #tpu.memory_space<vmem_shared>> -> memref<640x128xf32, #tpu.memory_space<vmem_shared>>
      tpu.wait_dma2 semaphore(%run_scoped3A : memref<!tpu.dma_semaphore, #tpu.memory_space<semaphore_mem>>) src(%dma_wait3A_131 : memref<640x128xf32, #tpu.memory_space<vmem_shared>>) dst(%dma_wait3A_129 : memref<640x128xf32, #tpu.memory_space<hbm>>)
      tpu.yield
    }) : () -> ()
    %mul3A_122 = arith.constant 10240 : i32
    %mul3A_123 = arith.muli %add3A, %mul3A_122 : i32
    "tpu.region"() ({
      %run_scoped3A = tpu.sem_alloc : memref<!tpu.dma_semaphore, #tpu.memory_space<semaphore_mem>>
      %dma_start3A_124 = tpu.memref_slice %arg6[%mul3A_123] : memref<327680xf32, #tpu.memory_space<hbm>> -> memref<10240xf32, #tpu.memory_space<hbm>>
      %dma_start3A_125 = tpu.memref_slice %arg6[%mul3A_123] : memref<327680xf32, #tpu.memory_space<hbm>> -> memref<10240xf32, #tpu.memory_space<hbm>>
      tpu.enqueue_dma source(%arg16 : memref<10240xf32, #tpu.memory_space<vmem>>) target(%dma_start3A_125 : memref<10240xf32, #tpu.memory_space<hbm>>) target_semaphore(%run_scoped3A : memref<!tpu.dma_semaphore, #tpu.memory_space<semaphore_mem>>)
      %dma_wait3A_126 = tpu.memref_slice %arg6[%mul3A_123] : memref<327680xf32, #tpu.memory_space<hbm>> -> memref<10240xf32, #tpu.memory_space<hbm>>
      %dma_wait3A_127 = tpu.memref_slice %arg6[%mul3A_123] : memref<327680xf32, #tpu.memory_space<hbm>> -> memref<10240xf32, #tpu.memory_space<hbm>>
      tpu.wait_dma2 semaphore(%run_scoped3A : memref<!tpu.dma_semaphore, #tpu.memory_space<semaphore_mem>>) src(%arg16 : memref<10240xf32, #tpu.memory_space<vmem>>) dst(%dma_wait3A_127 : memref<10240xf32, #tpu.memory_space<hbm>>)
      tpu.yield
    }) : () -> ()
    return
  }
}

module attributes {stable_mosaic.version = 14 : i64} {
  func.func @_tc_self_body(%arg0: i32, %arg1: memref<640x128xf32, #tpu.memory_space<vmem>>, %arg2: memref<128x128xf32, #tpu.memory_space<vmem>>, %arg3: memref<1x128xf32, #tpu.memory_space<vmem>>, %arg4: memref<640x128xf32, #tpu.memory_space<vmem>>) attributes {dimension_semantics = [#tpu.dimension_semantics<arbitrary>], iteration_bounds = array<i64: 16>, scalar_prefetch = 0 : i64, scratch_operands = 0 : i64, tpu.core_type = #tpu.core_type<tc>, window_params = [{transform_indices = @transform_0, window_bounds = array<i64: 640, 128>}, {pipeline_mode = #tpu.pipeline_mode<synchronous>, transform_indices = @transform_1, window_bounds = array<i64: 128, 128>}, {pipeline_mode = #tpu.pipeline_mode<synchronous>, transform_indices = @transform_2, window_bounds = array<i64: 1, 128>}, {transform_indices = @transform_3, window_bounds = array<i64: 640, 128>}]} {
    %get3A = arith.constant 0 : index
    %get3A_0 = arith.constant 0 : index
    %get3A_1 = vector.load %arg1[%get3A, %get3A_0] : memref<640x128xf32, #tpu.memory_space<vmem>>, vector<640x128xf32>
    %get3A_2 = arith.constant 0 : index
    %get3A_3 = arith.constant 0 : index
    %get3A_4 = vector.load %arg2[%get3A_2, %get3A_3] : memref<128x128xf32, #tpu.memory_space<vmem>>, vector<128x128xf32>
    %dot_general3A = arith.constant dense<0.000000e+00> : vector<640x128xf32>
    %dot_general3A_5 = tpu.matmul %get3A_1, %get3A_4, %dot_general3A {dimension_numbers = #tpu.dot_dimension_numbers<[1], [1], [0], [0], [0, 0, 1, 0], [], []>, transpose_lhs_hint = false} : vector<640x128xf32>, vector<128x128xf32>, vector<640x128xf32> -> vector<640x128xf32>
    %get3A_6 = arith.constant 0 : index
    %get3A_7 = arith.constant 0 : index
    %get3A_8 = vector.load %arg3[%get3A_6, %get3A_7] : memref<1x128xf32, #tpu.memory_space<vmem>>, vector<1x128xf32>
    %get3A_9 = vector.shape_cast %get3A_8 : vector<1x128xf32> to vector<128xf32>
    %broadcast_in_dim3A = vector.shape_cast %get3A_9 : vector<128xf32> to vector<1x128xf32>
    %add3A = vector.broadcast %broadcast_in_dim3A : vector<1x128xf32> to vector<640x128xf32>
    %add3A_10 = arith.addf %dot_general3A_5, %add3A : vector<640x128xf32>
    %swap3A = arith.constant 0 : index
    %swap3A_11 = arith.constant 0 : index
    %swap3A_12 = vector.load %arg4[%swap3A, %swap3A_11] : memref<640x128xf32, #tpu.memory_space<vmem>>, vector<640x128xf32>
    tpu.vector_store %arg4[%swap3A, %swap3A_11], %add3A_10 {strides = array<i32>} : memref<640x128xf32, #tpu.memory_space<vmem>>, vector<640x128xf32>,
    return
  }
  func.func @transform_0(%arg0: i32) -> (i32, i32) {
    %c0_i32 = arith.constant 0 : i32
    %c0_i32_0 = arith.constant 0 : i32
    return %arg0, %c0_i32 : i32, i32
  }
  func.func @transform_1(%arg0: i32) -> (i32, i32) {
    %c0_i32 = arith.constant 0 : i32
    %c0_i32_0 = arith.constant 0 : i32
    %c0_i32_1 = arith.constant 0 : i32
    return %c0_i32, %c0_i32_0 : i32, i32
  }
  func.func @transform_2(%arg0: i32) -> (i32, i32) {
    %c0_i32 = arith.constant 0 : i32
    %c0_i32_0 = arith.constant 0 : i32
    %c0_i32_1 = arith.constant 0 : i32
    return %c0_i32, %c0_i32_0 : i32, i32
  }
  func.func @transform_3(%arg0: i32) -> (i32, i32) {
    %c0_i32 = arith.constant 0 : i32
    %c0_i32_0 = arith.constant 0 : i32
    return %arg0, %c0_i32 : i32, i32
  }
}

module attributes {stable_mosaic.version = 14 : i64} {
  func.func @_tc_comb_body(%arg0: i32, %arg1: memref<640x128xf32, #tpu.memory_space<vmem>>, %arg2: memref<2x640x128xf32, #tpu.memory_space<vmem>>, %arg3: memref<32x640xf32, #tpu.memory_space<vmem>>, %arg4: memref<128x128xf32, #tpu.memory_space<vmem>>, %arg5: memref<640x128xf32, #tpu.memory_space<vmem>>) attributes {dimension_semantics = [#tpu.dimension_semantics<arbitrary>], iteration_bounds = array<i64: 16>, scalar_prefetch = 0 : i64, scratch_operands = 0 : i64, tpu.core_type = #tpu.core_type<tc>, window_params = [{transform_indices = @transform_0, window_bounds = array<i64: 640, 128>}, {transform_indices = @transform_1, window_bounds = array<i64: 2, 640, 128>}, {transform_indices = @transform_2, window_bounds = array<i64: 32, 640>}, {pipeline_mode = #tpu.pipeline_mode<synchronous>, transform_indices = @transform_3, window_bounds = array<i64: 128, 128>}, {transform_indices = @transform_4, window_bounds = array<i64: 640, 128>}]} {
    %get3A = arith.constant 0 : index
    %get3A_0 = arith.constant 0 : index
    %get3A_1 = arith.constant 0 : index
    %get3A_2 = vector.load %arg2[%get3A, %get3A_0, %get3A_1] : memref<2x640x128xf32, #tpu.memory_space<vmem>>, vector<1x640x128xf32>
    %get3A_3 = vector.shape_cast %get3A_2 : vector<1x640x128xf32> to vector<640x128xf32>
    %get3A_4 = arith.constant 1 : index
    %get3A_5 = arith.constant 0 : index
    %get3A_6 = arith.constant 0 : index
    %get3A_7 = vector.load %arg2[%get3A_4, %get3A_5, %get3A_6] : memref<2x640x128xf32, #tpu.memory_space<vmem>>, vector<1x640x128xf32>
    %get3A_8 = vector.shape_cast %get3A_7 : vector<1x640x128xf32> to vector<640x128xf32>
    %add3A = arith.addf %get3A_3, %get3A_8 : vector<640x128xf32>
    %get3A_9 = arith.constant 0 : index
    %get3A_10 = arith.constant 0 : index
    %get3A_11 = vector.load %arg3[%get3A_9, %get3A_10] : memref<32x640xf32, #tpu.memory_space<vmem>>, vector<32x640xf32>
    %reduce_sum3A = arith.constant dense<0.000000e+00> : vector<640xf32>
    %reduce_sum3A_12 = vector.multi_reduction <add>, %get3A_11, %reduce_sum3A [0] : vector<32x640xf32> to vector<640xf32>
    %broadcast_in_dim3A = vector.shape_cast %reduce_sum3A_12 : vector<640xf32> to vector<640x1xf32>
    %max3A = arith.constant 1.000000e+00 : f32
    %max3A_13 = vector.broadcast %max3A : f32 to vector<640x1xf32>
    %max3A_14 = arith.maximumf %broadcast_in_dim3A, %max3A_13 : vector<640x1xf32>
    %div3A = vector.broadcast %max3A_14 : vector<640x1xf32> to vector<640x128xf32>
    %div3A_15 = arith.divf %add3A, %div3A : vector<640x128xf32>
    %get3A_16 = arith.constant 0 : index
    %get3A_17 = arith.constant 0 : index
    %get3A_18 = vector.load %arg4[%get3A_16, %get3A_17] : memref<128x128xf32, #tpu.memory_space<vmem>>, vector<128x128xf32>
    %dot_general3A = arith.constant dense<0.000000e+00> : vector<640x128xf32>
    %dot_general3A_19 = tpu.matmul %div3A_15, %get3A_18, %dot_general3A {dimension_numbers = #tpu.dot_dimension_numbers<[1], [1], [0], [0], [0, 0, 1, 0], [], []>, transpose_lhs_hint = false} : vector<640x128xf32>, vector<128x128xf32>, vector<640x128xf32> -> vector<640x128xf32>
    %get3A_20 = arith.constant 0 : index
    %get3A_21 = arith.constant 0 : index
    %get3A_22 = vector.load %arg1[%get3A_20, %get3A_21] : memref<640x128xf32, #tpu.memory_space<vmem>>, vector<640x128xf32>
    %add3A_23 = arith.addf %get3A_22, %dot_general3A_19 : vector<640x128xf32>
    %swap3A = arith.constant 0 : index
    %swap3A_24 = arith.constant 0 : index
    %swap3A_25 = vector.load %arg5[%swap3A, %swap3A_24] : memref<640x128xf32, #tpu.memory_space<vmem>>, vector<640x128xf32>
    tpu.vector_store %arg5[%swap3A, %swap3A_24], %add3A_23 {strides = array<i32>} : memref<640x128xf32, #tpu.memory_space<vmem>>, vector<640x128xf32>,
    return
  }
  func.func @transform_0(%arg0: i32) -> (i32, i32) {
    %c0_i32 = arith.constant 0 : i32
    %c0_i32_0 = arith.constant 0 : i32
    return %arg0, %c0_i32 : i32, i32
  }
  func.func @transform_1(%arg0: i32) -> (i32, i32, i32) {
    %c0_i32 = arith.constant 0 : i32
    %c0_i32_0 = arith.constant 0 : i32
    %c0_i32_1 = arith.constant 0 : i32
    return %c0_i32, %arg0, %c0_i32_0 : i32, i32, i32
  }
  func.func @transform_2(%arg0: i32) -> (i32, i32) {
    %c0_i32 = arith.constant 0 : i32
    %c0_i32_0 = arith.constant 0 : i32
    return %c0_i32, %arg0 : i32, i32
  }
  func.func @transform_3(%arg0: i32) -> (i32, i32) {
    %c0_i32 = arith.constant 0 : i32
    %c0_i32_0 = arith.constant 0 : i32
    %c0_i32_1 = arith.constant 0 : i32
    return %c0_i32, %c0_i32_0 : i32, i32
  }
  func.func @transform_4(%arg0: i32) -> (i32, i32) {
    %c0_i32 = arith.constant 0 : i32
    %c0_i32_0 = arith.constant 0 : i32
    return %arg0, %c0_i32 : i32, i32
  }
}

</mosaic_0001>

<sc_bundles>
// kernel: kernel.5.cloned.1.call-start
scs
__scs_entry_jumppad:
0x0: {  	(pc) =	sbr.rel $0x88, $3  }
0x1: {  	(tag) =	ssettag $0x0;
	lr =	simm.s32 $0x1  }
0x2: {  	[smem:$0x3F9C] =	sst lr;
	_ =	strace $0xD0000000  }
0x3: {  	_ = 	snop  }
0x4: {  	_ = 	snop  }
0x5: {  	_ = 	snop  }
0x6: {  	_ = 	snop  }
0x7: {  	_ = 	snop  }
__scs_overlays_trampoline_lowered:
0x8: {  	[smem:$0x3FAB] =	sst s0  }
0x9: {  	[smem:$0x3FAC] =	sst s1  }
0xa: {  	[smem:$0x3FAD] =	sst s2  }
0xb: {  	[smem:$0x3FAE] =	sst s3  }
0xc: {  	[smem:$0x3FAF] =	sst s4  }
0xd: {  	[smem:$0x3FB0] =	sst s5  }
0xe: {  	[smem:$0x3FB1] =	sst s6  }
0xf: {  	[smem:$0x3FB2] =	sst s7  }
0x10: {  	[smem:$0x3FB3] =	sst s8  }
0x11: {  	[smem:$0x3FB4] =	sst s9;
	s0 =	simm.s32 @!p0 $0x0  }
0x12: {  	s1 =	sld [smem:$0x3F9A];
	s0 =	simm.s32 @p0 $0x1  }
0x13: {  	[smem:$0x3FB5] =	sst s0;
	s0 =	simm.s32 @!p1 $0x0  }
0x14: {  	s2 =	sld [smem:$0x3F99];
	s0 =	simm.s32 @p1 $0x1  }
0x15: {  	[smem:$0x3FB6] =	sst s0;
	s0 =	simm.s32 @!p2 $0x0  }
0x16: {  	s3 =	sld [smem:$0x3FDB];
	s0 =	simm.s32 @p2 $0x1  }
0x17: {  	s4 =	simm.s32 $0x1BF5;
	[smem:$0x3FB8] =	sst s0  }
0x18: {  	s0 =	sld [smem:$0x3F9B];
	_ =	swait.ge [sflag:s4], $0x0  }
0x19: {  	s7 =	sld [smem:$0x3F9C]  }
0x1a: {  	s8 =	sadd.s32 $0xFFFFE003, lr  }
0x1b: {  	s9 =	sadd.s32 $0xFFFFFEF7, lr;
	s5 =	simm.s32 $0xFFFFFFFF;
	p2 =	slt.u32 s8, $0xFFFFF086  }
0x1c: {  	p1 =	slt.u32 s9, $0xF7A;
	s5 =	simm.s32 @!p2 $0x0  }
0x1d: {  	s5 =	simm.s32 @p1 $0x1;
	p0 =	seq.s32 s7, s2  }
0x1e: {  	s7 =	smul.u32 @!p0 $0xF7A, s2;
	p2 =	seq.s32 @!p0 s5, $0x0  }
0x1f: {  	s9 =	smul.u32 $0xF7A, s1;
	s8 =	simm.s32 @!p0 $0x1BF5;
	p2 =	por !p2, p0  }
0x20: {  	[sflag:s8] =	ssyncset.s32 @!p0 $0xFFFFF086;
	s6 =	sadd.s32 @!p0 s3, s7;
	s7 =	simm.s32 @!p0 $0x108  }
0x21: {  	s3 =	sadd.s32 s3, s9;
	s6 =	sadd.s32 @!p0 $0x88, s6;
	s7 =	simm.s32 @p2 $0x1082  }
0x22: {  	[simem:s7], [sflag:s8] =	dma.local @!p0 [hbm:s6], $0xF7A  }
0x23: {  	s9 =	sor.u32 $0xD0000000, s2;
	s6 =	simm.s32 $0x108;
	_ =	swait.ge @!p0 [sflag:s8], $0x0  }
0x24: {  	s3 =	sadd.s32 $0x88, s3;
	s6 =	simm.s32 @!p1 $0x1082;
	[sflag:s4] =	ssyncset.s32 $0xFFFFF086  }
0x25: {  	[simem:s6], [sflag:s4] =	dma.local [hbm:s3], $0xF7A  }
0x26: {  	[smem:$0x3F9C] =	sst s1;
	(tag) =	ssettag s2;
	_ =	strace s9  }
0x27: {  	s1 =	sld [smem:$0x3FAC]  }
0x28: {  	s2 =	sld [smem:$0x3FAD]  }
0x29: {  	s4 =	sld [smem:$0x3FAF]  }
0x2a: {  	p0 =	seq.s32 s5, $0x0;
	s5 =	sld [smem:$0x3FB0]  }
0x2b: {  	s6 =	sld [smem:$0x3FB1]  }
0x2c: {  	s7 =	sld [smem:$0x3FB2]  }
0x2d: {  	s3 =	simm.s32 $0x108;
	s8 =	sld [smem:$0x3FB3]  }
0x2e: {  	s3 =	simm.s32 @!p0 $0x1082;
	s9 =	sld [smem:$0x3FB4]  }
0x2f: {  	lr =	sadd.s32 s0, s3;
	s0 =	sld [smem:$0x3FAB]  }
0x30: {  	s3 =	sld [smem:$0x3FAE]  }
0x31: {  	[smem:$0x3FB7] =	sst s10  }
0x32: {  	s10 =	sld [smem:$0x3FB5];
	_ =	sdelay $0x3  }
0x33: {  	p0 =	seq.s32 s10, $0x1;
	s10 =	sld [smem:$0x3FB7];
	_ =	sdelay $0x3  }
0x34: {  	[smem:$0x3FB7] =	sst s10  }
0x35: {  	s10 =	sld [smem:$0x3FB6];
	_ =	sdelay $0x3  }
0x36: {  	p1 =	seq.s32 s10, $0x1;
	s10 =	sld [smem:$0x3FB7];
	_ =	sdelay $0x3  }
0x37: {  	[smem:$0x3FB7] =	sst s10  }
0x38: {  	s10 =	sld [smem:$0x3FB8]  }
0x39: {  	_ = 	snop;
	(pc) =	sbr.ind lr, $3  }
0x3a: {  	_ = 	snop  }
0x3b: {  	_ = 	snop  }
0x3c: {  	p2 =	seq.s32 s10, $0x1;
	s10 =	sld [smem:$0x3FB7]  }
0x3d: {  	_ =	shalt  }
0x3e: {  	_ =	shalt  }
0x3f: {  	_ =	shalt  }
0x40: {  	_ =	shalt  }
0x41: {  	_ =	shalt  }
0x42: {  	_ =	shalt  }
0x43: {  	_ =	shalt  }
0x44: {  	_ =	shalt  }
0x45: {  	_ =	shalt  }
0x46: {  	_ =	shalt  }
0x47: {  	_ =	shalt  }
0x48: {  	_ =	shalt  }
0x49: {  	_ =	shalt  }
0x4a: {  	_ =	shalt  }
0x4b: {  	_ =	shalt  }
0x4c: {  	_ =	shalt  }
0x4d: {  	_ =	shalt  }
0x4e: {  	_ =	shalt  }
0x4f: {  	_ =	shalt  }
0x50: {  	_ =	shalt  }
0x51: {  	_ =	shalt  }
0x52: {  	_ =	shalt  }
0x53: {  	_ =	shalt  }
0x54: {  	_ =	shalt  }
0x55: {  	_ =	shalt  }
0x56: {  	_ =	shalt  }
0x57: {  	_ =	shalt  }
0x58: {  	_ =	shalt  }
0x59: {  	_ =	shalt  }
0x5a: {  	_ =	shalt  }
0x5b: {  	_ =	shalt  }
0x5c: {  	_ =	shalt  }
0x5d: {  	_ =	shalt  }
0x5e: {  	_ =	shalt  }
0x5f: {  	_ =	shalt  }
0x60: {  	_ =	shalt  }
0x61: {  	_ =	shalt  }
0x62: {  	_ =	shalt  }
0x63: {  	_ =	shalt  }
0x64: {  	_ =	shalt  }
0x65: {  	_ =	shalt  }
0x66: {  	_ =	shalt  }
0x67: {  	_ =	shalt  }
0x68: {  	_ =	shalt  }
0x69: {  	_ =	shalt  }
0x6a: {  	_ =	shalt  }
0x6b: {  	_ =	shalt  }
0x6c: {  	_ =	shalt  }
0x6d: {  	_ =	shalt  }
0x6e: {  	_ =	shalt  }
0x6f: {  	_ =	shalt  }
0x70: {  	_ =	shalt  }
0x71: {  	_ =	shalt  }
0x72: {  	_ =	shalt  }
0x73: {  	_ =	shalt  }
0x74: {  	_ =	shalt  }
0x75: {  	_ =	shalt  }
0x76: {  	_ =	shalt  }
0x77: {  	_ =	shalt  }
0x78: {  	_ =	shalt  }
0x79: {  	_ =	shalt  }
0x7a: {  	_ =	shalt  }
0x7b: {  	_ =	shalt  }
0x7c: {  	_ =	shalt  }
0x7d: {  	_ =	shalt  }
0x7e: {  	_ =	shalt  }
0x7f: {  	_ =	shalt  }
0x80: {  	_ =	shalt  }
0x81: {  	_ =	shalt  }
0x82: {  	_ =	shalt  }
0x83: {  	_ =	shalt  }
0x84: {  	_ =	shalt  }
0x85: {  	_ =	shalt  }
0x86: {  	_ =	shalt  }
0x87: {  	_ =	shalt  }
.Lfunc_end0:
.L_simem_size_0:
called_computation_lowered:
.L_overlay_start_0:
0x88: {  	s2 =	sld [smem:$0x3FD9]  }
0x89: {  	s3 =	sld [smem:$0x3FFE];
	_ =	sdelay $0x1  }
0x8a: {  	s1 =	srdreg.scid  }
0x8b: {  	s0 =	sand.u32 $0x1, s1  }
0x8c: {  	s17 =	sshll.u32 s0, $0xA;
	s2 =	sadd.s32 s3, s2  }
0x8d: {  	s2 =	sadd.s32 s2, s17  }
0x8e: {  	[smem:$0x3FC3] =	sst s2  }
0x8f: {  	_ = 	snop  }
0x90: {  	s2 =	sld [smem:$0x3FC9]  }
0x91: {  	s18 =	sld [smem:$0x3FD0];
	(tm) =	ssettm $0x1  }
0x92: {  	s4 =	sld [smem:$0x3FFB];
	_ =	sdelay $0x3  }
0x93: {  	_ =	strace s4  }
0x94: {  	s4 =	sld [smem:$0x3FFC];
	_ =	sdelay $0x3  }
0x95: {  	_ =	strace s4  }
0x96: {  	s4 =	sld [smem:$0x3FFD];
	_ =	sdelay $0x3  }
0x97: {  	_ =	strace s4  }
0x98: {  	_ =	strace $0x8FFFFFFF  }
0x99: {  	s19 =	sld [smem:$0x3FDB];
	_ =	sdelay $0x1  }
0x9a: {  	s5 =	simm.s32 $_scs_section_size  }
0x9b: {  	s6 =	simm.s32 $_size__tile_overlayer_lowered;
	s7 =	simm.s32 $_tile_overlayer_lowered  }
0x9c: {  	s22 =	simm.s32 $0x1BFF;
	s21 =	sshll.u32 s7, $0x1;
	s4 =	sadd.s32 s5, s19  }
0x9d: {  	s8 =	simm.s32 $0x0;
	s20 =	sshll.u32 s6, $0x1;
	s6 =	sadd.s32 s21, s4  }
0x9e: {  	[timem:s8], [sflag:s22] =	dma.local [hbm:s6], s20  }
0x9f: {  	_ =	swait.ge [sflag:s22], s20  }
0xa0: {  	s5 =	ssub.s32 $0x0, s20;
	[sflag:s22] =	ssyncset.done $0x0  }
0xa1: {  	[sflag:s22] =	ssyncadd.s32 s5;
	_ =	sdelay $0x1  }
0xa2: {  	s23 =	simm.s32 $0x1B8B  }
0xa3: {  	_ =	swait.ge [sflag:s23], $0x1  }
0xa4: {  	[sflag:s23] =	ssyncset.done $0x0  }
0xa5: {  	s25 =	simm.s32 $0x1B8E;
	s24 =	sld [smem:$0x3FFE];
	[sflag:s23] =	ssyncadd.s32 $0xFFFFFFFF  }
0xa6: {  	s26 =	simm.s32 $execute0_lowered;
	[smem:$0x3FD2] =	sst s25  }
0xa7: {  	s6 =	sshll.u32 s26, $0x1;
	_ =	strace $0x80000046;
	[dreg:$0x1] =	wrdreg $0xFFFFFFFF  }
0xa8: {  	s28 =	simm.s32 $_size_execute0_lowered;
	s4 =	sadd.s32 s4, s6;
	[dreg:$0x0] =	wrdreg $0x0  }
0xa9: {  	s6 =	sshll.u32 s28, $0x1;
	[dreg:$0x2] =	wrdreg s4  }
0xaa: {  	[dreg:$0x3] =	wrdreg s6  }
0xab: {  	[dreg:$0x4] =	wrdreg $0xC0  }
0xac: {  	_ =	task [dreg:s8], $0x5FFFF  }
0xad: {  	[dreg:$0x1] =	wrdreg $0xFFFFFFFF  }
0xae: {  	[dreg:$0x0] =	wrdreg $0x60  }
0xaf: {  	[dreg:$0x2] =	wrdreg s24  }
0xb0: {  	[dreg:$0x3] =	wrdreg s2  }
0xb1: {  	[dreg:$0x4] =	wrdreg s18  }
0xb2: {  	[dreg:$0x5] =	wrdreg $0xB3000  }
0xb3: {  	[dreg:$0x6] =	wrdreg $0x9  }
0xb4: {  	_ =	task.clear_ibuf [dreg:s8], $0x7FFFF;
	_ =	strace $0x90000046  }
0xb5: {  	s29 =	simm.s32 $0x9;
	_ =	strace $0x80000048  }
0xb6: {  	_ =	swait.ge [sflag:s29], $0x1  }
0xb7: {  	[sflag:s29] =	ssyncadd.s32 $0xFFFFFFFF  }
0xb8: {  	_ =	strace $0x90000048  }
0xb9: {  	_ =	sfence  }
0xba: {  	s30 =	sld [smem:$0x0];
	_ =	sdelay $0x2  }
0xbb: {  	s31 =	sshll.u32 s1, $0xD;
	s1 =	sshrl.u32 s1, $0x2  }
0xbc: {  	s3 =	sand.u32 $0x4000, s31;
	s1 =	sadd.s32 s1, s30  }
0xbd: {  	s0 =	sor.u32 s3, s0;
	s1 =	sshll.u32 s1, $0x11  }
0xbe: {  	s0 =	sor.u32 s1, s0  }
0xbf: {  	s0 =	sadd.s32 $0x8F2B, s0  }
0xc0: {  	[sflag:s0] =	ssyncadd.remote.s32 $0x1  }
0xc1: {  	_ =	sfence.sel $0xFFFF  }
0xc2: {  	[dreg:$0x0] =	wrdreg $0xFFFFFFFF;
	(pc) =	sbr.abs _section_cstart, $3  }
0xc3: {  	[dreg:$0x1] =	wrdreg $0xFFFFFFFF  }
0xc4: {  	_ =	task.clear_ibuf [dreg:s8], $0x2FFFF;
	_ =	strace $0x9FFFFFFF  }
0xc5: {  	(tm) =	ssettm $0x7FFFFFFF  }
tec
execute0_lowered:
.L_overlay_start_1:
0x0: {  	(tag) =	ssettag $0x1  }
0x1: {  	s0 =	rddreg [dreg:$0x0]  }
0x2: {  	s1 =	rddreg [dreg:$0x1]  }
0x3: {  	s3 =	rddreg [dreg:$0x2]  }
0x4: {  	s2 =	rddreg [dreg:$0x3]  }
0x5: {  	s4 =	simm.s32 $0x0;
	s5 =	srdreg.scid;
	s13 =	stileid.u32  }
0x6: {  	s28 =	simm.s32 $0x4200;
	s29 =	simm.s32 $0x1;
	s30 =	simm.s32 $0x8B00  }
0x7: {  	s31 =	simm.s32 $0x2;
	[smem:$0x7FF] =	sst s4;
	s7 =	smul.u32 $0x2800, s13  }
0x8: {  	s8 =	sand.u32 $0x1, s5;
	s5 =	sadd.s32 $0xAE00, s0;
	s10 =	smul.u32 $0x50000, s13  }
0x9: {  	s6 =	smul.u32 $0x28000, s8;
	_ =	strace $0x80000047;
	s9 =	sshll.u32 s8, $0x4  }
0xa: {  	s11 =	ssub.s32 $0x2, s8;
	s8 =	smul.u32 $0x27100, s8;
	s9 =	sor.u32 s13, s9  }
0xb: {  	s19 =	sshrl.u32 s11, $0x1;
	s20 =	sshrl.u32 s10, $0x2;
	s13 =	smul.u32 $0x2710, s13  }
0xc: {  	s7 =	sadd.s32 s7, s6;
	s12 =	smul.u32 $0x2710, s9;
	s6 =	sadd.s32 $0x1000, s0  }
0xd: {  	s11 =	ssub.s32 s11, s19;
	s9 =	smul.u32 $0x500, s9;
	s0 =	sadd.s32 s7, s0  }
0xe: {  	s7 =	sadd.s32 s20, s2;
	s8 =	sadd.s32 s13, s8;
	s26 =	smax.u32 s11, $0x1  }
0xf: {  	s20 =	simm.s32 $0x200;
	s11 =	simm.s32 $0x8300;
	s21 =	sshrl.u32 s12, $0x3  }
0x10: {  	s0 =	sadd.s32 $0x14C00, s0;
	s25 =	sadd.s32 $0x180, s8;
	s3 =	sadd.s32 s3, s9  }
0x11: {  	[dreg:$0xd] =	wrdreg s26;
	s26 =	simm.s32 $0x4;
	s9 =	simm.s32 $0x8280  }
0x12: {  	s12 =	sadd.s32 s5, s21;
	s22 =	sadd.s32 s6, s21;
	[dreg:$0xb] =	wrdreg s0  }
0x13: {  	s23 =	sadd.s32 $0x10, s21;
	s10 =	sadd.s32 $0x4E0, s21;
	[dreg:$0xc] =	wrdreg s3  }
0x14: {  	s0 =	sshrl.u32 s25, $0x3;
	s21 =	simm.s32 $0x7;
	[dreg:$0x5] =	wrdreg s12  }
0x15: {  	s25 =	simm.s32 $0x3;
	s3 =	simm.s32 $0x6;
	[dreg:$0x6] =	wrdreg s22  }
0x16: {  	s14 =	sadd.s32 s5, s23;
	s12 =	sadd.s32 s6, s23;
	s24 =	sadd.s32 s5, s10  }
0x17: {  	s10 =	sadd.s32 s6, s10;
	s17 =	sadd.s32 s0, s6;
	[dreg:$0x7] =	wrdreg s14  }
0x18: {  	s18 =	sadd.s32 s0, s5;
	s22 =	simm.s32 $0x100;
	[dreg:$0x8] =	wrdreg s12  }
0x19: {  	s23 =	simm.s32 $0x80;
	s0 =	simm.s32 $0x5;
	[dreg:$0x9] =	wrdreg s24  }
0x1a: {  	[dreg:$0xa] =	wrdreg s10;
	s14 =	sadd.s32 $0x100, s8;
	s24 =	simm.s32 $0x180  }
0x1b: {  	v0 =	vimm.f32 $0.0e+00;
	v1 =	vimm.f32 $1.000000000e+00;
	s8 =	simm.s32 $0x8200;
	s10 =	simm.s32 $0x10;
	s12 =	simm.s32 $0x0  }
.LBB2_1:
0x1c: {  	s13 =	simm.s32 $0x0;
	s19 =	simm.s32 $0x200  }
.LBB2_2:
0x1d: {  	p0 =	sne.s32 s19, $0x1E00;
	[tilespmem:s13+$0x270] =	vst v0  }
0x1e: {  	[tilespmem:s13+$0x200] =	vst v0  }
0x1f: {  	[tilespmem:s13+$0x210] =	vst v0  }
.Ltmp0:
0x20: {  	[tilespmem:s13+$0x220] =	vst v0;
	(pc) =	sbr.rel @p0 .LBB2_2-.Ltmp0, $4  }
0x21: {  	[tilespmem:s13+$0x230] =	vst v0  }
0x22: {  	[tilespmem:s13+$0x240] =	vst v0  }
0x23: {  	[tilespmem:s13+$0x250] =	vst v0  }
0x24: {  	[tilespmem:s13+$0x260] =	vst v0;
	s13 =	sshra.s32 s19, $0x2;
	s19 =	sadd.s32 $0x200, s19  }
0x25: {  	[tilespmem:s13+$0x270] =	vst v0  }
0x26: {  	[tilespmem:s13+$0x200] =	vst v0  }
0x27: {  	[tilespmem:s13+$0x210] =	vst v0  }
0x28: {  	[tilespmem:s13+$0x220] =	vst v0  }
0x29: {  	[tilespmem:s13+$0x230] =	vst v0  }
0x2a: {  	[tilespmem:s13+$0x240] =	vst v0  }
0x2b: {  	[tilespmem:s13+$0x250] =	vst v0  }
0x2c: {  	[tilespmem:s13+$0x260] =	vst v0;
	s13 =	simm.s32 $0x40;
	s19 =	simm.s32 $0x0  }
.LBB2_4:
0x2d: {  	p0 =	sne.s32 s13, $0x9FC0;
	[tilespmem:s19+$0x8B00] =	vst v0;
	s19 =	smov.u32 s13;
	s13 =	sadd.s32 $0x40, s13  }
.Ltmp1:
0x2e: {  	(pc) =	sbr.rel @p0 .LBB2_4-.Ltmp1, $2  }
0x2f: {  	_ =	sdelay $0x2  }
0x30: {  	s19 =	sshra.s32 s19, $0x2  }
0x31: {  	[tilespmem:s19+$0x8B00] =	vst v0;
	s13 =	sadd.s32 $0x0, s7  }
0x32: {  	[spmem:s13] =	stream.linear.scatter [tilespmem:s20], [sflag:$0x7], $0x800, $0x38;
	[tilespmem:$0x1F300] =	vst v63  }
0x33: {  	s13 =	simm.s32 $0x2000;
	_ =	swait.ge [sflag:s21], $0x800  }
.LBB2_6:
0x34: {  	s19 =	sshra.s32 s13, $0x2;
	[sflag:s21] =	ssyncset.done $0x0;
	p0 =	sne.s32 s13, $0x4E000  }
.Ltmp2:
0x35: {  	s19 =	sadd.s32 s19, s7;
	[sflag:s21] =	ssyncadd.s32 $0xFFFFF800;
	(pc) =	sbr.rel @p0 .LBB2_6-.Ltmp2, $3  }
0x36: {  	[spmem:s19] =	stream.linear.scatter [tilespmem:s20], [sflag:$0x7], $0x800, $0x38;
	[tilespmem:$0x1F300] =	vst v63  }
0x37: {  	s13 =	sadd.s32 $0x2000, s13;
	_ =	sdelay $0x1  }
0x38: {  	_ =	swait.ge [sflag:s21], $0x800  }
0x39: {  	[sflag:s21] =	ssyncset.done $0x0  }
0x3a: {  	[sflag:s21] =	ssyncadd.s32 $0xFFFFF800  }
0x3b: {  	[bflag:$0x0] =	sbarrier.arrive $0xFFFF  }
0x3c: {  	s13 =	simm.s32 $0x0;
	s15 =	rddreg [dreg:$0x5]  }
0x3d: {  	[tilespmem:s13], [sflag:$0x3] =	stream.linear.gather [hbm4b:s15+s13], $0x80, $0x38;
	[tilespmem:$0x1F300] =	vst v63  }
0x3e: {  	s19 =	rddreg [dreg:$0x6]  }
0x3f: {  	[tilespmem:s22], [sflag:$0x3] =	stream.linear.gather [hbm4b:s19+s13], $0x80, $0x38;
	[tilespmem:$0x1F300] =	vst v63  }
0x40: {  	s16 =	rddreg [dreg:$0x7]  }
0x41: {  	[tilespmem:s23], [sflag:$0x4] =	stream.linear.gather [hbm4b:s16+s13], $0x80, $0x38;
	[tilespmem:$0x1F300] =	vst v63  }
0x42: {  	s19 =	rddreg [dreg:$0x8]  }
0x43: {  	[tilespmem:s24], [sflag:$0x4] =	stream.linear.gather [hbm4b:s19+s13], $0x80, $0x38;
	[tilespmem:$0x1F300] =	vst v63  }
0x44: {  	_ =	swait.ge [sflag:s25], $0x80  }
0x45: {  	[sflag:s25] =	ssyncset.done $0x0  }
0x46: {  	[sflag:s25] =	ssyncadd.s32 $0xFFFFFF80  }
0x47: {  	_ =	swait.ge [sflag:s25], $0x80  }
0x48: {  	[sflag:s25] =	ssyncset.done $0x0  }
0x49: {  	[sflag:s25] =	ssyncadd.s32 $0xFFFFFF80  }
0x4a: {  	[tilespmem:s20], [sflag:$0x1] =	stream.indirect.gather [hbm4b:s1+s23], $0x80, s13, s23, $0xb8;
	[tilespmem:$0x1F300] =	vst v63  }
0x4b: {  	_ =	swait.ge [sflag:s26], $0x80  }
0x4c: {  	[sflag:s26] =	ssyncset.done $0x0  }
0x4d: {  	[sflag:s26] =	ssyncadd.s32 $0xFFFFFF80  }
0x4e: {  	_ =	swait.ge [sflag:s26], $0x80  }
0x4f: {  	[sflag:s26] =	ssyncset.done $0x0  }
0x50: {  	[sflag:s26] =	ssyncadd.s32 $0xFFFFFF80  }
0x51: {  	[tilespmem:s28], [sflag:$0x2] =	stream.indirect.gather [hbm4b:s1+s23], $0x80, s23, s23, $0xb8;
	[tilespmem:$0x1F300] =	vst v63  }
0x52: {  	_ =	swait.ge [sflag:s29], $0x4000  }
0x53: {  	[sflag:s29] =	ssyncset.done $0x0  }
0x54: {  	[sflag:s29] =	ssyncadd.s32 $0xFFFFC000  }
0x55: {  	v2 =	vld [tilespmem:$0x100];
	_ =	sdelay $0x7  }
0x56: {  	[tilespmem:v2+s30+$0x0] =	vst.idx.add.f32.msk $0xffff, v1  }
0x57: {  	v2 =	vld [tilespmem:$0x110];
	_ =	sdelay $0x7  }
0x58: {  	[tilespmem:v2+s30+$0x0] =	vst.idx.add.f32.msk $0xffff, v1  }
0x59: {  	v2 =	vld [tilespmem:$0x120];
	_ =	sdelay $0x7  }
0x5a: {  	[tilespmem:v2+s30+$0x0] =	vst.idx.add.f32.msk $0xffff, v1  }
0x5b: {  	v2 =	vld [tilespmem:$0x130];
	_ =	sdelay $0x7  }
0x5c: {  	[tilespmem:v2+s30+$0x0] =	vst.idx.add.f32.msk $0xffff, v1  }
0x5d: {  	v2 =	vld [tilespmem:$0x140];
	_ =	sdelay $0x7  }
0x5e: {  	[tilespmem:v2+s30+$0x0] =	vst.idx.add.f32.msk $0xffff, v1  }
0x5f: {  	v2 =	vld [tilespmem:$0x150];
	_ =	sdelay $0x7  }
0x60: {  	[tilespmem:v2+s30+$0x0] =	vst.idx.add.f32.msk $0xffff, v1  }
0x61: {  	v2 =	vld [tilespmem:$0x160];
	_ =	sdelay $0x7  }
0x62: {  	[tilespmem:v2+s30+$0x0] =	vst.idx.add.f32.msk $0xffff, v1  }
0x63: {  	v2 =	vld [tilespmem:$0x170];
	_ =	sdelay $0x7  }
0x64: {  	[tilespmem:v2+s30+$0x0] =	vst.idx.add.f32.msk $0xffff, v1  }
0x65: {  	[spmem:s2] =	stream.indirect.scatter.add.f32 [tilespmem:s20], [sflag:$0x5], $0x80, s22, s23, $0xb8;
	[tilespmem:$0x1F300] =	vst v63  }
0x66: {  	_ =	swait.ge [sflag:s31], $0x4000  }
0x67: {  	[sflag:s31] =	ssyncset.done $0x0  }
0x68: {  	[sflag:s31] =	ssyncadd.s32 $0xFFFFC000  }
0x69: {  	v2 =	vld [tilespmem:$0x180];
	_ =	sdelay $0x7  }
0x6a: {  	[tilespmem:v2+s30+$0x0] =	vst.idx.add.f32.msk $0xffff, v1  }
0x6b: {  	v2 =	vld [tilespmem:$0x190];
	_ =	sdelay $0x7  }
0x6c: {  	[tilespmem:v2+s30+$0x0] =	vst.idx.add.f32.msk $0xffff, v1  }
0x6d: {  	v2 =	vld [tilespmem:$0x1A0];
	_ =	sdelay $0x7  }
0x6e: {  	[tilespmem:v2+s30+$0x0] =	vst.idx.add.f32.msk $0xffff, v1  }
0x6f: {  	v2 =	vld [tilespmem:$0x1B0];
	_ =	sdelay $0x7  }
0x70: {  	[tilespmem:v2+s30+$0x0] =	vst.idx.add.f32.msk $0xffff, v1  }
0x71: {  	v2 =	vld [tilespmem:$0x1C0];
	_ =	sdelay $0x7  }
0x72: {  	[tilespmem:v2+s30+$0x0] =	vst.idx.add.f32.msk $0xffff, v1  }
0x73: {  	v2 =	vld [tilespmem:$0x1D0];
	_ =	sdelay $0x7  }
0x74: {  	[tilespmem:v2+s30+$0x0] =	vst.idx.add.f32.msk $0xffff, v1  }
0x75: {  	v2 =	vld [tilespmem:$0x1E0];
	_ =	sdelay $0x7  }
0x76: {  	[tilespmem:v2+s30+$0x0] =	vst.idx.add.f32.msk $0xffff, v1  }
0x77: {  	v2 =	vld [tilespmem:$0x1F0];
	_ =	sdelay $0x7  }
0x78: {  	s19 =	smov.u32 s14;
	[tilespmem:v2+s30+$0x0] =	vst.idx.add.f32.msk $0xffff, v1  }
0x79: {  	[spmem:s2] =	stream.indirect.scatter.add.f32 [tilespmem:s28], [sflag:$0x6], $0x80, s24, s23, $0xb8;
	[tilespmem:$0x1F300] =	vst v63  }
.LBB2_8:
0x7a: {  	_ =	swait.ge [sflag:s0], $0x4000  }
0x7b: {  	[sflag:s0] =	ssyncset.done $0x0  }
0x7c: {  	[sflag:s0] =	ssyncadd.s32 $0xFFFFC000  }
0x7d: {  	_ =	swait.ge [sflag:s3], $0x4000  }
0x7e: {  	s15 =	sshrl.u32 s19, $0x3;
	[sflag:s3] =	ssyncset.done $0x0  }
0x7f: {  	s16 =	sadd.s32 s5, s15;
	[sflag:s3] =	ssyncadd.s32 $0xFFFFC000  }
0x80: {  	[tilespmem:s4], [sflag:$0x3] =	stream.linear.gather [hbm4b:s16+s4], $0x80, $0x38;
	[tilespmem:$0x1F300] =	vst v63  }
0x81: {  	s15 =	sadd.s32 s6, s15  }
0x82: {  	[tilespmem:s22], [sflag:$0x3] =	stream.linear.gather [hbm4b:s15+s4], $0x80, $0x38;
	[tilespmem:$0x1F300] =	vst v63  }
0x83: {  	s16 =	sadd.s32 s13, s18  }
0x84: {  	[tilespmem:s23], [sflag:$0x4] =	stream.linear.gather [hbm4b:s16+s4], $0x80, $0x38;
	[tilespmem:$0x1F300] =	vst v63  }
0x85: {  	s16 =	sadd.s32 s13, s17  }
0x86: {  	[tilespmem:s24], [sflag:$0x4] =	stream.linear.gather [hbm4b:s16+s4], $0x80, $0x38;
	[tilespmem:$0x1F300] =	vst v63  }
0x87: {  	_ =	swait.ge [sflag:s25], $0x80  }
0x88: {  	[sflag:s25] =	ssyncset.done $0x0  }
0x89: {  	[sflag:s25] =	ssyncadd.s32 $0xFFFFFF80  }
0x8a: {  	_ =	swait.ge [sflag:s25], $0x80  }
0x8b: {  	[sflag:s25] =	ssyncset.done $0x0  }
0x8c: {  	[sflag:s25] =	ssyncadd.s32 $0xFFFFFF80  }
0x8d: {  	[tilespmem:s20], [sflag:$0x1] =	stream.indirect.gather [hbm4b:s1+s23], $0x80, s4, s23, $0xb8;
	[tilespmem:$0x1F300] =	vst v63  }
0x8e: {  	_ =	swait.ge [sflag:s26], $0x80  }
0x8f: {  	[sflag:s26] =	ssyncset.done $0x0  }
0x90: {  	[sflag:s26] =	ssyncadd.s32 $0xFFFFFF80  }
0x91: {  	_ =	swait.ge [sflag:s26], $0x80  }
0x92: {  	[sflag:s26] =	ssyncset.done $0x0  }
0x93: {  	[sflag:s26] =	ssyncadd.s32 $0xFFFFFF80  }
0x94: {  	[tilespmem:s28], [sflag:$0x2] =	stream.indirect.gather [hbm4b:s1+s23], $0x80, s23, s23, $0xb8;
	[tilespmem:$0x1F300] =	vst v63  }
0x95: {  	_ =	swait.ge [sflag:s29], $0x4000  }
0x96: {  	[sflag:s29] =	ssyncset.done $0x0  }
0x97: {  	[sflag:s29] =	ssyncadd.s32 $0xFFFFC000  }
0x98: {  	v2 =	vld [tilespmem:$0x100];
	_ =	sdelay $0x7  }
0x99: {  	[tilespmem:v2+s30+$0x0] =	vst.idx.add.f32.msk $0xffff, v1  }
0x9a: {  	v2 =	vld [tilespmem:$0x110];
	_ =	sdelay $0x7  }
0x9b: {  	[tilespmem:v2+s30+$0x0] =	vst.idx.add.f32.msk $0xffff, v1  }
0x9c: {  	v2 =	vld [tilespmem:$0x120];
	_ =	sdelay $0x7  }
0x9d: {  	[tilespmem:v2+s30+$0x0] =	vst.idx.add.f32.msk $0xffff, v1  }
0x9e: {  	v2 =	vld [tilespmem:$0x130];
	_ =	sdelay $0x7  }
0x9f: {  	[tilespmem:v2+s30+$0x0] =	vst.idx.add.f32.msk $0xffff, v1  }
0xa0: {  	v2 =	vld [tilespmem:$0x140];
	_ =	sdelay $0x7  }
0xa1: {  	[tilespmem:v2+s30+$0x0] =	vst.idx.add.f32.msk $0xffff, v1  }
0xa2: {  	v2 =	vld [tilespmem:$0x150];
	_ =	sdelay $0x7  }
0xa3: {  	[tilespmem:v2+s30+$0x0] =	vst.idx.add.f32.msk $0xffff, v1  }
0xa4: {  	v2 =	vld [tilespmem:$0x160];
	_ =	sdelay $0x7  }
0xa5: {  	[tilespmem:v2+s30+$0x0] =	vst.idx.add.f32.msk $0xffff, v1  }
0xa6: {  	v2 =	vld [tilespmem:$0x170];
	_ =	sdelay $0x7  }
0xa7: {  	[tilespmem:v2+s30+$0x0] =	vst.idx.add.f32.msk $0xffff, v1  }
0xa8: {  	[spmem:s2] =	stream.indirect.scatter.add.f32 [tilespmem:s20], [sflag:$0x5], $0x80, s22, s23, $0xb8;
	[tilespmem:$0x1F300] =	vst v63  }
0xa9: {  	_ =	swait.ge [sflag:s31], $0x4000  }
0xaa: {  	[sflag:s31] =	ssyncset.done $0x0  }
0xab: {  	[sflag:s31] =	ssyncadd.s32 $0xFFFFC000  }
0xac: {  	v2 =	vld [tilespmem:$0x180];
	_ =	sdelay $0x7  }
0xad: {  	[tilespmem:v2+s30+$0x0] =	vst.idx.add.f32.msk $0xffff, v1  }
0xae: {  	v2 =	vld [tilespmem:$0x190];
	_ =	sdelay $0x7  }
0xaf: {  	[tilespmem:v2+s30+$0x0] =	vst.idx.add.f32.msk $0xffff, v1  }
0xb0: {  	v2 =	vld [tilespmem:$0x1A0];
	_ =	sdelay $0x7  }
0xb1: {  	[tilespmem:v2+s30+$0x0] =	vst.idx.add.f32.msk $0xffff, v1  }
0xb2: {  	v2 =	vld [tilespmem:$0x1B0];
	_ =	sdelay $0x7  }
0xb3: {  	[tilespmem:v2+s30+$0x0] =	vst.idx.add.f32.msk $0xffff, v1  }
0xb4: {  	v2 =	vld [tilespmem:$0x1C0];
	_ =	sdelay $0x7  }
0xb5: {  	[tilespmem:v2+s30+$0x0] =	vst.idx.add.f32.msk $0xffff, v1  }
0xb6: {  	v2 =	vld [tilespmem:$0x1D0];
	_ =	sdelay $0x7  }
0xb7: {  	[tilespmem:v2+s30+$0x0] =	vst.idx.add.f32.msk $0xffff, v1  }
0xb8: {  	v2 =	vld [tilespmem:$0x1E0];
	_ =	sdelay $0x7  }
0xb9: {  	[tilespmem:v2+s30+$0x0] =	vst.idx.add.f32.msk $0xffff, v1  }
0xba: {  	v2 =	vld [tilespmem:$0x1F0];
	_ =	sdelay $0x3  }
0xbb: {  	p0 =	sne.s32 s13, $0x4A0  }
.Ltmp3:
0xbc: {  	_ = 	snop;
	(pc) =	sbr.rel @p0 .LBB2_8-.Ltmp3, $3  }
0xbd: {  	_ =	sdelay $0x1  }
0xbe: {  	s19 =	sadd.s32 $0x100, s19;
	s13 =	sadd.s32 $0x20, s13;
	[tilespmem:v2+s30+$0x0] =	vst.idx.add.f32.msk $0xffff, v1  }
0xbf: {  	[spmem:s2] =	stream.indirect.scatter.add.f32 [tilespmem:s28], [sflag:$0x6], $0x80, s24, s23, $0xb8;
	[tilespmem:$0x1F300] =	vst v63  }
0xc0: {  	s13 =	rddreg [dreg:$0x9]  }
0xc1: {  	[tilespmem:s8], [sflag:$0x7] =	stream.linear.gather [hbm4b:s13+s4], $0x10, $0x38;
	[tilespmem:$0x1F300] =	vst v63  }
0xc2: {  	_ =	swait.ge [sflag:s21], $0x10  }
0xc3: {  	[sflag:s21] =	ssyncset.done $0x0  }
0xc4: {  	s19 =	rddreg [dreg:$0xa];
	[sflag:s21] =	ssyncadd.s32 $0xFFFFFFF0  }
0xc5: {  	[tilespmem:s9], [sflag:$0x7] =	stream.linear.gather [hbm4b:s19+s4], $0x10, $0x38;
	[tilespmem:$0x1F300] =	vst v63  }
0xc6: {  	_ =	swait.ge [sflag:s21], $0x10  }
0xc7: {  	[sflag:s21] =	ssyncset.done $0x0  }
0xc8: {  	[sflag:s21] =	ssyncadd.s32 $0xFFFFFFF0  }
0xc9: {  	[tilespmem:s11], [sflag:$0x1] =	stream.indirect.gather [hbm4b:s1+s10], $0x80, s8, s10, $0xb8;
	[tilespmem:$0x1F300] =	vst v63  }
0xca: {  	_ =	swait.ge [sflag:s29], $0x800  }
0xcb: {  	[sflag:s29] =	ssyncset.done $0x0  }
0xcc: {  	[sflag:s29] =	ssyncadd.s32 $0xFFFFF800  }
0xcd: {  	v2 =	vld [tilespmem:$0x8280];
	_ =	sdelay $0x7  }
0xce: {  	[tilespmem:v2+s30+$0x0] =	vst.idx.add.f32.msk $0xffff, v1  }
0xcf: {  	[spmem:s2] =	stream.indirect.scatter.add.f32 [tilespmem:s11], [sflag:$0x7], $0x80, s9, s10, $0xb8;
	[tilespmem:$0x1F300] =	vst v63  }
0xd0: {  	_ =	swait.ge [sflag:s21], $0x800  }
0xd1: {  	[sflag:s21] =	ssyncset.done $0x0  }
0xd2: {  	[sflag:s21] =	ssyncadd.s32 $0xFFFFF800  }
0xd3: {  	_ =	swait.ge [sflag:s0], $0x4000  }
0xd4: {  	[sflag:s0] =	ssyncset.done $0x0  }
0xd5: {  	[sflag:s0] =	ssyncadd.s32 $0xFFFFC000  }
0xd6: {  	_ =	swait.ge [sflag:s3], $0x4000  }
0xd7: {  	[sflag:s3] =	ssyncset.done $0x0  }
0xd8: {  	s15 =	stileid.u32;
	[sflag:s3] =	ssyncadd.s32 $0xFFFFC000  }
0xd9: {  	s13 =	sshll.u32 s15, $0x6;
	[bflag:$0x0] =	sbarrier.arrive $0xFFFF  }
0xda: {  	s15 =	sshrl.u32 s7, $0x3;
	s13 =	sor.u32 $0x1C07, s13;
	s16 =	rddreg [dreg:$0xb]  }
0xdb: {  	[hbm:s16], [sflag:s13] =	dma.local [spmem:s15], $0x2800  }
0xdc: {  	_ =	swait.ge [sflag:s21], $0x2800  }
0xdd: {  	[sflag:s21] =	ssyncset.done $0x0  }
0xde: {  	s16 =	rddreg [dreg:$0xc];
	[sflag:s21] =	ssyncadd.s32 $0xFFFFD800  }
0xdf: {  	[hbm4b:s16+s4] =	stream.linear.scatter [tilespmem:s30], [sflag:$0x7], $0x2800, $0x38;
	[tilespmem:$0x1F300] =	vst v63  }
0xe0: {  	_ =	swait.ge [sflag:s21], $0x2800  }
0xe1: {  	s12 =	sadd.s32 $0x1, s12;
	s19 =	rddreg [dreg:$0xd]  }
0xe2: {  	p0 =	sne.s32 s12, s19  }
.Ltmp4:
0xe3: {  	_ = 	snop;
	(pc) =	sbr.rel @p0 .LBB2_1-.Ltmp4, $3  }
0xe4: {  	_ =	sdelay $0x1  }
0xe5: {  	[sflag:s21] =	ssyncset.done $0x0  }
0xe6: {  	[sflag:s21] =	ssyncadd.s32 $0xFFFFD800  }
0xe7: {  	_ =	sfence.sel $0x180000  }
0xe8: {  	[bflag:$0x0] =	sbarrier.arrive $0xFFFF  }
0xe9: {  	_ =	strace $0x90000047  }
0xea: {  	s0 =	stileid.u32;
	[bflag:$0x2] =	sbarrier.arrive $0xFFFF  }
0xeb: {  	p0 =	sne.s32 s0, $0x0;
	s0 =	rddreg [dreg:$0x4]  }
0xec: {  	s0 =	sadd.s32 @!p0 $0x100000, s0  }
0xed: {  	[sflag:s0] =	ssyncadd.tile.s32 @!p0 $0x1;
	_ =	shalt  }
.Lfunc_end2:
_tile_overlayer_lowered:
.L_overlay_start_2:
0xee: {  	(tag) =	ssettag $0x2  }
0xef: {  	s0 =	rddreg [dreg:$0x0];
	s2 =	stileid.u32  }
0xf0: {  	s1 =	rddreg [dreg:$0x1];
	p0 =	sne.s32 s2, $0x0  }
0xf1: {  	s3 =	rddreg [dreg:$0x2];
	[bflag:$0x3] =	sbarrier.arrive $0xFFFF;
	s2 =	simm.s32 @!p0 $0x1C07  }
0xf2: {  	[timem:s3], [sflag:s2] =	dma.local @!p0 [hbm:s0], s1  }
0xf3: {  	s0 =	simm.s32 @!p0 $0x7  }
0xf4: {  	_ =	swait.ge @!p0 [sflag:s0], s1  }
0xf5: {  	s1 =	ssub.s32 @!p0 $0x0, s1;
	[sflag:s0] =	ssyncset.done @!p0 $0x0  }
0xf6: {  	[sflag:s0] =	ssyncadd.s32 @!p0 s1  }
0xf7: {  	[bflag:$0x3] =	sbarrier.arrive $0xFFFF  }
0xf8: {  	_ =	shalt  }

</sc_bundles>
